<compile_context>
chip_gen: v7x
topology: tpu7x:2x2x1
jax: 0.10.2.dev20260603
libtpu: 0.0.44.dev20260713+nightly
codegen_flags: <defaults>
</compile_context>

<pallas_src>
import functools

import jax
import jax.numpy as jnp
import numpy as np
from jax import lax
from jax.experimental import pallas as pl
from jax.experimental.pallas import tpu as pltpu
from jax.experimental.pallas import tpu_sc as plsc

N = 10000
E = 320000
D = 128
H = 128
C = 40

NP = 10240
NT = 16
EPT = E // NT
CHUNK = 128
NFULL = EPT // CHUNK
TAIL = EPT - NFULL * CHUNK
NCH = NFULL + 1
EPT_PAD = NCH * CHUNK
ZSEG = NP // NT
NP2 = 2 * NP


def _gate_const():
    rows = []
    with jax.default_device(jax.devices("cpu")[0]):
        for k in (1, 2):
            u = jax.random.uniform(jax.random.key(k), (E,), jnp.float32,
                                   1e-6, 1.0 - 1e-6)
            rows.append(np.asarray(jnp.log(u) - jnp.log(1.0 - u)))
    rows.append(np.zeros(CHUNK, np.float32))
    return np.concatenate(rows)


_GATE = _gate_const()


def _tc1_body(inp_ref, w1_ref, b1_ref, w2_ref, b2_ref, wf_ref,
              wea_ref, web_ref, ea_ref, y1_ref, y2_ref):
    x1 = jnp.dot(inp_ref[...], w1_ref[...],
                 preferred_element_type=jnp.float32) + b1_ref[...]
    x2 = jnp.dot(inp_ref[...], w2_ref[...],
                 preferred_element_type=jnp.float32) + b2_ref[...]
    y1_ref[...] = jnp.dot(x1, wf_ref[...], preferred_element_type=jnp.float32)
    y2_ref[...] = jnp.dot(x2, wf_ref[...], preferred_element_type=jnp.float32)
    ea_ref[...] = jnp.exp(
        jnp.dot(x1, wea_ref[...], preferred_element_type=jnp.float32)
        + jnp.dot(x2, web_ref[...], preferred_element_type=jnp.float32))


def _tc2_body(y1_ref, y2_ref, s_ref, bf_ref, out_ref):
    s1 = jnp.transpose(s_ref[0:1, :N])
    s2 = jnp.transpose(s_ref[1:2, :N])
    out_ref[...] = s1 * y1_ref[...] + s2 * y2_ref[...] + bf_ref[...]


def _sc_body(ea_hbm, edges_hbm, gate_hbm, out_hbm,
             src_v, dst_v, gate_v, val_v, ea_v, g_v, zero_v,
             den_sh, acc_sh, sem):
    c = lax.axis_index("c")
    t = lax.axis_index("s")
    base = t * EPT

    cp_src = pltpu.async_copy(
        edges_hbm.at[pl.ds(c * E + base, EPT_PAD)], src_v, sem)
    cp_dst = pltpu.async_copy(
        edges_hbm.at[pl.ds((2 + c) * E + base, EPT_PAD)], dst_v, sem)
    cp_gate = pltpu.async_copy(
        gate_hbm.at[pl.ds(c * E + base, EPT_PAD)], gate_v, sem)
    cp_ea = pltpu.async_copy(ea_hbm, ea_v, sem)

    def _zero(i, _):
        zero_v[pl.ds(i * 16, 16)] = jnp.zeros((16,), jnp.float32)
        return 0
    lax.fori_loop(0, ZSEG // 16, _zero, 0)
    cp_src.wait()
    cp_dst.wait()
    cp_gate.wait()
    cp_ea.wait()
    pltpu.sync_copy(zero_v, den_sh.at[pl.ds(t * ZSEG, ZSEG)])
    pltpu.sync_copy(zero_v, acc_sh.at[pl.ds(t * ZSEG, ZSEG)])
    plsc.subcore_barrier()

    def _pass1(j, _):
        b = j * CHUNK
        for k in range(CHUNK // 16):
            sl = pl.ds(b + k * 16, 16)
            val_v[sl] = plsc.load_gather(ea_v, [src_v[sl]])
        csl = pl.ds(b, CHUNK)
        pltpu.async_copy(val_v.at[csl], den_sh.at[dst_v.at[csl]], sem,
                         add=True)
        return 0
    lax.fori_loop(0, NFULL, _pass1, 0)
    for k in range(TAIL // 16):
        sl = pl.ds(NFULL * CHUNK + k * 16, 16)
        val_v[sl] = plsc.load_gather(ea_v, [src_v[sl]])
    for k in range(TAIL // 16, CHUNK // 16):
        val_v[pl.ds(NFULL * CHUNK + k * 16, 16)] = jnp.zeros(
            (16,), jnp.float32)
    tsl = pl.ds(NFULL * CHUNK, CHUNK)
    pltpu.async_copy(val_v.at[tsl], den_sh.at[dst_v.at[tsl]], sem,
                     add=True)

    def _drain1(j, _):
        csl = pl.ds(0, CHUNK)
        pltpu.make_async_copy(val_v.at[csl], den_sh.at[dst_v.at[csl]],
                              sem).wait()
        return 0
    lax.fori_loop(0, NCH, _drain1, 0)
    plsc.subcore_barrier()

    pltpu.sync_copy(den_sh, g_v)

    def _recip(i, _):
        sl = pl.ds(i * 16, 16)
        g_v[sl] = 1.0 / g_v[sl]
        return 0
    lax.fori_loop(0, NP // 16, _recip, 0)

    def _pass2(j, _):
        b = j * CHUNK
        for k in range(CHUNK // 16):
            sl = pl.ds(b + k * 16, 16)
            rv = plsc.load_gather(g_v, [dst_v[sl]])
            z = gate_v[sl] + val_v[sl] * rv
            val_v[sl] = 1.0 / (1.0 + jnp.exp(-z))
        csl = pl.ds(b, CHUNK)
        pltpu.async_copy(val_v.at[csl], acc_sh.at[dst_v.at[csl]], sem,
                         add=True)
        return 0
    lax.fori_loop(0, NFULL, _pass2, 0)
    for k in range(TAIL // 16):
        sl = pl.ds(NFULL * CHUNK + k * 16, 16)
        rv = plsc.load_gather(g_v, [dst_v[sl]])
        z = gate_v[sl] + val_v[sl] * rv
        val_v[sl] = 1.0 / (1.0 + jnp.exp(-z))
    pltpu.async_copy(val_v.at[tsl], acc_sh.at[dst_v.at[tsl]], sem,
                     add=True)

    def _drain2(j, _):
        csl = pl.ds(0, CHUNK)
        pltpu.make_async_copy(val_v.at[csl], acc_sh.at[dst_v.at[csl]],
                              sem).wait()
        return 0
    lax.fori_loop(0, NCH, _drain2, 0)
    plsc.subcore_barrier()

    @pl.when(t == 0)
    def _write_out():
        pltpu.sync_copy(acc_sh, out_hbm.at[c])


_sc_kernel = functools.partial(
    pl.kernel,
    out_type=jax.ShapeDtypeStruct((2, NP), jnp.float32),
    mesh=plsc.VectorSubcoreMesh(core_axis_name="c", subcore_axis_name="s",
                                num_cores=2, num_subcores=16),
    scratch_types=[
        pltpu.VMEM((EPT_PAD,), jnp.int32),
        pltpu.VMEM((EPT_PAD,), jnp.int32),
        pltpu.VMEM((EPT_PAD,), jnp.float32),
        pltpu.VMEM((EPT_PAD,), jnp.float32),
        pltpu.VMEM((NP2,), jnp.float32),
        pltpu.VMEM((NP,), jnp.float32),
        pltpu.VMEM((ZSEG,), jnp.float32),
        pltpu.VMEM_SHARED((NP,), jnp.float32),
        pltpu.VMEM_SHARED((NP,), jnp.float32),
        pltpu.SemaphoreType.DMA,
    ],
    compiler_params=pltpu.CompilerParams(needs_layout_passes=False),
)(_sc_body)


def kernel(inputs, edge_index1, edge_index2, W1, b1, W2, b2, We, be, Wf, bf):
    f32 = jnp.float32

    we_s = We[:H, :]
    zcol = jnp.zeros((H, 1), f32)
    wea = jnp.concatenate([we_s, zcol], axis=1)
    web = jnp.concatenate([zcol, we_s], axis=1)

    ea_mat, y1, y2 = pl.pallas_call(
        _tc1_body,
        out_shape=[
            jax.ShapeDtypeStruct((N, 2), f32),
            jax.ShapeDtypeStruct((N, C), f32),
            jax.ShapeDtypeStruct((N, C), f32),
        ],
    )(inputs, W1, b1.reshape(1, H), W2, b2.reshape(1, H), Wf, wea, web)

    ea_flat = jnp.pad(ea_mat.reshape(2 * N), (0, NP2 - 2 * N))
    eflat = jnp.concatenate([
        edge_index1[0] * 2, edge_index2[0] * 2 + 1,
        edge_index1[1], edge_index2[1],
        jnp.zeros((CHUNK,), jnp.int32)])

    s_out = _sc_kernel(ea_flat, eflat, jnp.asarray(_GATE))

    logits = pl.pallas_call(
        _tc2_body,
        out_shape=jax.ShapeDtypeStruct((N, C), f32),
    )(y1, y2, s_out, bf.reshape(1, C))
    return logits

# --- scband reference (transcript-rebuilt; emitter-appended) ---
"""Pipeline reference for scband-egnn-25159918420560 (READ-ONLY COPY).

The authoritative reference and input builder live on the scoring server;
editing this copy changes nothing except your own understanding.
"""

import jax, jax.numpy as jnp
import numpy as np

N = 10000
E = 320000
D = 128
H = 128
C = 40


def setup_inputs(seed: int = 0) -> dict:
    key = jax.random.key(seed)
    ks = jax.random.split(key, 12)
    inputs = jax.random.normal(ks[0], (N, D), dtype=jnp.float32)
    edge_index1 = jax.random.randint(ks[1], (2, E), 0, N, dtype=jnp.int32)
    edge_index2 = jax.random.randint(ks[2], (2, E), 0, N, dtype=jnp.int32)
    s1 = 1.0 / np.sqrt(D)
    s2 = 1.0 / np.sqrt(2 * H)
    s3 = 1.0 / np.sqrt(H)
    W1 = jax.random.uniform(ks[3], (D, H), jnp.float32, -s1, s1)
    b1 = jax.random.uniform(ks[4], (H,), jnp.float32, -s1, s1)
    W2 = jax.random.uniform(ks[5], (D, H), jnp.float32, -s1, s1)
    b2 = jax.random.uniform(ks[6], (H,), jnp.float32, -s1, s1)
    We = jax.random.uniform(ks[7], (2 * H, 1), jnp.float32, -s2, s2)
    be = jax.random.uniform(ks[8], (1,), jnp.float32, -s2, s2)
    Wf = jax.random.uniform(ks[9], (H, C), jnp.float32, -s3, s3)
    bf = jax.random.uniform(ks[10], (C,), jnp.float32, -s3, s3)
    return {"inputs": inputs, "edge_index1": edge_index1, "edge_index2": edge_index2,
            "W1": W1, "b1": b1, "W2": W2, "b2": b2, "We": We, "be": be, "Wf": Wf, "bf": bf}


def _edge_softmax(logits, dst):
    m = jax.ops.segment_max(logits, dst, num_segments=N)
    e = jnp.exp(logits - m[dst])
    s = jax.ops.segment_sum(e, dst, num_segments=N)
    return e / s[dst]


def _concrete(att, key, beta=1.0):
    u = jax.random.uniform(key, att.shape, jnp.float32, 1e-6, 1.0 - 1e-6)
    gate = jnp.log(u) - jnp.log(1.0 - u)
    return jax.nn.sigmoid((gate + att) / beta)


def _branch(x, edge_index, key):
    src = edge_index[0]
    dst = edge_index[1]
    edge_emb = jnp.concatenate([x[src], x[dst]], axis=1)  # concat_message
    return src, dst, edge_emb


def reference(inputs, edge_index1, edge_index2, W1, b1, W2, b2, We, be, Wf, bf):
    x1 = inputs @ W1 + b1
    x2 = inputs @ W2 + b2

    def graph_branch(x, ei, key):
        src, dst, edge_emb = _branch(x, ei, key)
        logit = edge_emb @ We + be              # edge_linear -> [E, 1]
        att = _edge_softmax(logit, dst)          # edge_softmax over dst groups
        mask = _concrete(att, key)               # concrete gate
        m = mask * x[dst]                        # e_mul_v('alpha','emb','m')
        return jax.ops.segment_sum(m, dst, num_segments=N)  # sum reduce

    emb1 = graph_branch(x1, edge_index1, jax.random.key(1))
    emb2 = graph_branch(x2, edge_index2, jax.random.key(2))
    z = emb1 + emb2                              # dropout p=0.0 (eval)
    logits = z @ Wf + bf
    return logits

if __name__ == "__main__":
    import jax
    _d = setup_inputs()
    print(jax.jit(kernel)(*tuple(_d.values())))

</pallas_src>

<mosaic_0001>
#map = affine_map<(d0, d1) -> (0)>
#map1 = affine_map<(d0, d1) -> (0, 0)>
module attributes {stable_mosaic.version = 14 : i64} {
  func.func @_sc_body(%arg0: i32, %arg1: i32, %arg2: memref<20480xf32, #tpu.memory_space<hbm>>, %arg3: memref<1280128xi32, #tpu.memory_space<hbm>>, %arg4: memref<640128xf32, #tpu.memory_space<hbm>>, %arg5: memref<2x10240xf32, #tpu.memory_space<hbm>>, %arg6: memref<20096xi32, #tpu.memory_space<vmem>>, %arg7: memref<20096xi32, #tpu.memory_space<vmem>>, %arg8: memref<20096xf32, #tpu.memory_space<vmem>>, %arg9: memref<20096xf32, #tpu.memory_space<vmem>>, %arg10: memref<20480xf32, #tpu.memory_space<vmem>>, %arg11: memref<10240xf32, #tpu.memory_space<vmem>>, %arg12: memref<640xf32, #tpu.memory_space<vmem>>, %arg13: memref<10240xf32, #tpu.memory_space<vmem_shared>>, %arg14: memref<10240xf32, #tpu.memory_space<vmem_shared>>, %arg15: memref<!tpu.dma_semaphore, #tpu.memory_space<semaphore_mem>>) attributes {dimension_semantics = [#tpu.dimension_semantics<core_parallel>, #tpu.dimension_semantics<subcore_parallel>], iteration_bounds = array<i64: 2, 16>, scalar_prefetch = 0 : i64, scratch_operands = 10 : i64, tpu.core_type = #tpu.core_type<sc_vector_subcore>, window_params = [{transform_indices = #map}, {transform_indices = #map}, {transform_indices = #map}, {transform_indices = #map1}]} {
    %mul3A = arith.constant 20000 : i32
    %mul3A_0 = arith.muli %arg1, %mul3A : i32
    %mul3A_1 = arith.constant 320000 : i32
    %mul3A_2 = arith.muli %arg0, %mul3A_1 : i32
    %add3A = arith.addi %mul3A_2, %mul3A_0 : i32
    %dma_start3A = tpu.memref_slice %arg3[%add3A] : memref<1280128xi32, #tpu.memory_space<hbm>> -> memref<20096xi32, #tpu.memory_space<hbm>>
    %dma_start3A_3 = tpu.memref_slice %arg3[%add3A] : memref<1280128xi32, #tpu.memory_space<hbm>> -> memref<20096xi32, #tpu.memory_space<hbm>>
    tpu.enqueue_dma source(%dma_start3A_3 : memref<20096xi32, #tpu.memory_space<hbm>>) target(%arg6 : memref<20096xi32, #tpu.memory_space<vmem>>) target_semaphore(%arg15 : memref<!tpu.dma_semaphore, #tpu.memory_space<semaphore_mem>>)
    %add3A_4 = arith.constant 2 : i32
    %add3A_5 = arith.addi %add3A_4, %arg0 : i32
    %mul3A_6 = arith.constant 320000 : i32
    %mul3A_7 = arith.muli %add3A_5, %mul3A_6 : i32
    %add3A_8 = arith.addi %mul3A_7, %mul3A_0 : i32
    %dma_start3A_9 = tpu.memref_slice %arg3[%add3A_8] : memref<1280128xi32, #tpu.memory_space<hbm>> -> memref<20096xi32, #tpu.memory_space<hbm>>
    %dma_start3A_10 = tpu.memref_slice %arg3[%add3A_8] : memref<1280128xi32, #tpu.memory_space<hbm>> -> memref<20096xi32, #tpu.memory_space<hbm>>
    tpu.enqueue_dma source(%dma_start3A_10 : memref<20096xi32, #tpu.memory_space<hbm>>) target(%arg7 : memref<20096xi32, #tpu.memory_space<vmem>>) target_semaphore(%arg15 : memref<!tpu.dma_semaphore, #tpu.memory_space<semaphore_mem>>)
    %mul3A_11 = arith.constant 320000 : i32
    %mul3A_12 = arith.muli %arg0, %mul3A_11 : i32
    %add3A_13 = arith.addi %mul3A_12, %mul3A_0 : i32
    %dma_start3A_14 = tpu.memref_slice %arg4[%add3A_13] : memref<640128xf32, #tpu.memory_space<hbm>> -> memref<20096xf32, #tpu.memory_space<hbm>>
    %dma_start3A_15 = tpu.memref_slice %arg4[%add3A_13] : memref<640128xf32, #tpu.memory_space<hbm>> -> memref<20096xf32, #tpu.memory_space<hbm>>
    tpu.enqueue_dma source(%dma_start3A_15 : memref<20096xf32, #tpu.memory_space<hbm>>) target(%arg8 : memref<20096xf32, #tpu.memory_space<vmem>>) target_semaphore(%arg15 : memref<!tpu.dma_semaphore, #tpu.memory_space<semaphore_mem>>)
    tpu.enqueue_dma source(%arg2 : memref<20480xf32, #tpu.memory_space<hbm>>) target(%arg10 : memref<20480xf32, #tpu.memory_space<vmem>>) target_semaphore(%arg15 : memref<!tpu.dma_semaphore, #tpu.memory_space<semaphore_mem>>)
    %scan3A = arith.constant 0 : i32
    %scan3A_16 = arith.constant 0 : i32
    %scan3A_17 = arith.constant 40 : i32
    %scan3A_18 = arith.addi %scan3A_16, %scan3A_17 : i32
    %scan3A_19 = arith.constant 1 : i32
    %scan3A_20 = scf.for %scan3A_151 = %scan3A_16 to %scan3A_18 step %scan3A_19 iter_args(%scan3A_152 = %scan3A) -> (i32)  : i32 {
      %broadcast_in_dim3A_153 = arith.constant 0.000000e+00 : f32
      %broadcast_in_dim3A_154 = vector.broadcast %broadcast_in_dim3A_153 : f32 to vector<16xf32>
      %mul3A_155 = arith.constant 16 : i32
      %mul3A_156 = arith.muli %scan3A_151, %mul3A_155 : i32
      %swap3A_157 = arith.index_cast %mul3A_156 : i32 to index
      %swap3A_158 = tpu.vector_load %arg12[%swap3A_157] {strides = array<i32>} : memref<640xf32, #tpu.memory_space<vmem>>, vector<16xf32>,
      tpu.vector_store %arg12[%swap3A_157], %broadcast_in_dim3A_154 {strides = array<i32>} : memref<640xf32, #tpu.memory_space<vmem>>, vector<16xf32>,
      %scan3A_159 = arith.constant 0 : i32
      scf.yield %scan3A_159 : i32
    }
    %scan3A_21 = arith.constant 40 : i32
    %dma_wait3A = tpu.memref_slice %arg3[%add3A] : memref<1280128xi32, #tpu.memory_space<hbm>> -> memref<20096xi32, #tpu.memory_space<hbm>>
    %dma_wait3A_22 = tpu.memref_slice %arg3[%add3A] : memref<1280128xi32, #tpu.memory_space<hbm>> -> memref<20096xi32, #tpu.memory_space<hbm>>
    tpu.wait_dma2 semaphore(%arg15 : memref<!tpu.dma_semaphore, #tpu.memory_space<semaphore_mem>>) src(%dma_wait3A_22 : memref<20096xi32, #tpu.memory_space<hbm>>) dst(%arg6 : memref<20096xi32, #tpu.memory_space<vmem>>)
    %dma_wait3A_23 = tpu.memref_slice %arg3[%add3A_8] : memref<1280128xi32, #tpu.memory_space<hbm>> -> memref<20096xi32, #tpu.memory_space<hbm>>
    %dma_wait3A_24 = tpu.memref_slice %arg3[%add3A_8] : memref<1280128xi32, #tpu.memory_space<hbm>> -> memref<20096xi32, #tpu.memory_space<hbm>>
    tpu.wait_dma2 semaphore(%arg15 : memref<!tpu.dma_semaphore, #tpu.memory_space<semaphore_mem>>) src(%dma_wait3A_24 : memref<20096xi32, #tpu.memory_space<hbm>>) dst(%arg7 : memref<20096xi32, #tpu.memory_space<vmem>>)
    %dma_wait3A_25 = tpu.memref_slice %arg4[%add3A_13] : memref<640128xf32, #tpu.memory_space<hbm>> -> memref<20096xf32, #tpu.memory_space<hbm>>
    %dma_wait3A_26 = tpu.memref_slice %arg4[%add3A_13] : memref<640128xf32, #tpu.memory_space<hbm>> -> memref<20096xf32, #tpu.memory_space<hbm>>
    tpu.wait_dma2 semaphore(%arg15 : memref<!tpu.dma_semaphore, #tpu.memory_space<semaphore_mem>>) src(%dma_wait3A_26 : memref<20096xf32, #tpu.memory_space<hbm>>) dst(%arg8 : memref<20096xf32, #tpu.memory_space<vmem>>)
    tpu.wait_dma2 semaphore(%arg15 : memref<!tpu.dma_semaphore, #tpu.memory_space<semaphore_mem>>) src(%arg2 : memref<20480xf32, #tpu.memory_space<hbm>>) dst(%arg10 : memref<20480xf32, #tpu.memory_space<vmem>>)
    %mul3A_27 = arith.constant 640 : i32
    %mul3A_28 = arith.muli %arg1, %mul3A_27 : i32
    "tpu.region"() ({
      %run_scoped3A = tpu.sem_alloc : memref<!tpu.dma_semaphore, #tpu.memory_space<semaphore_mem>>
      %dma_start3A_151 = tpu.memref_slice %arg13[%mul3A_28] : memref<10240xf32, #tpu.memory_space<vmem_shared>> -> memref<640xf32, #tpu.memory_space<vmem_shared>>
      %dma_start3A_152 = tpu.memref_slice %arg13[%mul3A_28] : memref<10240xf32, #tpu.memory_space<vmem_shared>> -> memref<640xf32, #tpu.memory_space<vmem_shared>>
      tpu.enqueue_dma source(%arg12 : memref<640xf32, #tpu.memory_space<vmem>>) target(%dma_start3A_152 : memref<640xf32, #tpu.memory_space<vmem_shared>>) target_semaphore(%run_scoped3A : memref<!tpu.dma_semaphore, #tpu.memory_space<semaphore_mem>>)
      %dma_wait3A_153 = tpu.memref_slice %arg13[%mul3A_28] : memref<10240xf32, #tpu.memory_space<vmem_shared>> -> memref<640xf32, #tpu.memory_space<vmem_shared>>
      %dma_wait3A_154 = tpu.memref_slice %arg13[%mul3A_28] : memref<10240xf32, #tpu.memory_space<vmem_shared>> -> memref<640xf32, #tpu.memory_space<vmem_shared>>
      tpu.wait_dma2 semaphore(%run_scoped3A : memref<!tpu.dma_semaphore, #tpu.memory_space<semaphore_mem>>) src(%arg12 : memref<640xf32, #tpu.memory_space<vmem>>) dst(%dma_wait3A_154 : memref<640xf32, #tpu.memory_space<vmem_shared>>)
      tpu.yield
    }) : () -> ()
    %mul3A_29 = arith.constant 640 : i32
    %mul3A_30 = arith.muli %arg1, %mul3A_29 : i32
    "tpu.region"() ({
      %run_scoped3A = tpu.sem_alloc : memref<!tpu.dma_semaphore, #tpu.memory_space<semaphore_mem>>
      %dma_start3A_151 = tpu.memref_slice %arg14[%mul3A_30] : memref<10240xf32, #tpu.memory_space<vmem_shared>> -> memref<640xf32, #tpu.memory_space<vmem_shared>>
      %dma_start3A_152 = tpu.memref_slice %arg14[%mul3A_30] : memref<10240xf32, #tpu.memory_space<vmem_shared>> -> memref<640xf32, #tpu.memory_space<vmem_shared>>
      tpu.enqueue_dma source(%arg12 : memref<640xf32, #tpu.memory_space<vmem>>) target(%dma_start3A_152 : memref<640xf32, #tpu.memory_space<vmem_shared>>) target_semaphore(%run_scoped3A : memref<!tpu.dma_semaphore, #tpu.memory_space<semaphore_mem>>)
      %dma_wait3A_153 = tpu.memref_slice %arg14[%mul3A_30] : memref<10240xf32, #tpu.memory_space<vmem_shared>> -> memref<640xf32, #tpu.memory_space<vmem_shared>>
      %dma_wait3A_154 = tpu.memref_slice %arg14[%mul3A_30] : memref<10240xf32, #tpu.memory_space<vmem_shared>> -> memref<640xf32, #tpu.memory_space<vmem_shared>>
      tpu.wait_dma2 semaphore(%run_scoped3A : memref<!tpu.dma_semaphore, #tpu.memory_space<semaphore_mem>>) src(%arg12 : memref<640xf32, #tpu.memory_space<vmem>>) dst(%dma_wait3A_154 : memref<640xf32, #tpu.memory_space<vmem_shared>>)
      tpu.yield
    }) : () -> ()
    %barrier3A = arith.constant 0 : index
    tpu.barrier barrier_id(%barrier3A)
    %scan3A_31 = arith.constant 0 : i32
    %scan3A_32 = arith.constant 0 : i32
    %scan3A_33 = arith.constant 156 : i32
    %scan3A_34 = arith.addi %scan3A_32, %scan3A_33 : i32
    %scan3A_35 = arith.constant 1 : i32
    %scan3A_36 = scf.for %scan3A_151 = %scan3A_32 to %scan3A_34 step %scan3A_35 iter_args(%scan3A_152 = %scan3A_31) -> (i32)  : i32 {
      %mul3A_153 = arith.constant 128 : i32
      %mul3A_154 = arith.muli %scan3A_151, %mul3A_153 : i32
      %add3A_155 = arith.constant 0 : i32
      %add3A_156 = arith.addi %mul3A_154, %add3A_155 : i32
      %get3A_157 = arith.index_cast %add3A_156 : i32 to index
      %get3A_158 = tpu.vector_load %arg6[%get3A_157] {strides = array<i32>} : memref<20096xi32, #tpu.memory_space<vmem>>, vector<16xi32>,
      %gather3A_159 = tpu.vector_load_idx %arg10[%get3A_158] : memref<20480xf32, #tpu.memory_space<vmem>>[vector<16xi32>], vector<16xf32>,
      %swap3A_160 = arith.index_cast %add3A_156 : i32 to index
      %swap3A_161 = tpu.vector_load %arg9[%swap3A_160] {strides = array<i32>} : memref<20096xf32, #tpu.memory_space<vmem>>, vector<16xf32>,
      tpu.vector_store %arg9[%swap3A_160], %gather3A_159 {strides = array<i32>} : memref<20096xf32, #tpu.memory_space<vmem>>, vector<16xf32>,
      %add3A_162 = arith.constant 16 : i32
      %add3A_163 = arith.addi %mul3A_154, %add3A_162 : i32
      %get3A_164 = arith.index_cast %add3A_163 : i32 to index
      %get3A_165 = tpu.vector_load %arg6[%get3A_164] {strides = array<i32>} : memref<20096xi32, #tpu.memory_space<vmem>>, vector<16xi32>,
      %gather3A_166 = tpu.vector_load_idx %arg10[%get3A_165] : memref<20480xf32, #tpu.memory_space<vmem>>[vector<16xi32>], vector<16xf32>,
      %swap3A_167 = arith.index_cast %add3A_163 : i32 to index
      %swap3A_168 = tpu.vector_load %arg9[%swap3A_167] {strides = array<i32>} : memref<20096xf32, #tpu.memory_space<vmem>>, vector<16xf32>,
      tpu.vector_store %arg9[%swap3A_167], %gather3A_166 {strides = array<i32>} : memref<20096xf32, #tpu.memory_space<vmem>>, vector<16xf32>,
      %add3A_169 = arith.constant 32 : i32
      %add3A_170 = arith.addi %mul3A_154, %add3A_169 : i32
      %get3A_171 = arith.index_cast %add3A_170 : i32 to index
      %get3A_172 = tpu.vector_load %arg6[%get3A_171] {strides = array<i32>} : memref<20096xi32, #tpu.memory_space<vmem>>, vector<16xi32>,
      %gather3A_173 = tpu.vector_load_idx %arg10[%get3A_172] : memref<20480xf32, #tpu.memory_space<vmem>>[vector<16xi32>], vector<16xf32>,
      %swap3A_174 = arith.index_cast %add3A_170 : i32 to index
      %swap3A_175 = tpu.vector_load %arg9[%swap3A_174] {strides = array<i32>} : memref<20096xf32, #tpu.memory_space<vmem>>, vector<16xf32>,
      tpu.vector_store %arg9[%swap3A_174], %gather3A_173 {strides = array<i32>} : memref<20096xf32, #tpu.memory_space<vmem>>, vector<16xf32>,
      %add3A_176 = arith.constant 48 : i32
      %add3A_177 = arith.addi %mul3A_154, %add3A_176 : i32
      %get3A_178 = arith.index_cast %add3A_177 : i32 to index
      %get3A_179 = tpu.vector_load %arg6[%get3A_178] {strides = array<i32>} : memref<20096xi32, #tpu.memory_space<vmem>>, vector<16xi32>,
      %gather3A_180 = tpu.vector_load_idx %arg10[%get3A_179] : memref<20480xf32, #tpu.memory_space<vmem>>[vector<16xi32>], vector<16xf32>,
      %swap3A_181 = arith.index_cast %add3A_177 : i32 to index
      %swap3A_182 = tpu.vector_load %arg9[%swap3A_181] {strides = array<i32>} : memref<20096xf32, #tpu.memory_space<vmem>>, vector<16xf32>,
      tpu.vector_store %arg9[%swap3A_181], %gather3A_180 {strides = array<i32>} : memref<20096xf32, #tpu.memory_space<vmem>>, vector<16xf32>,
      %add3A_183 = arith.constant 64 : i32
      %add3A_184 = arith.addi %mul3A_154, %add3A_183 : i32
      %get3A_185 = arith.index_cast %add3A_184 : i32 to index
      %get3A_186 = tpu.vector_load %arg6[%get3A_185] {strides = array<i32>} : memref<20096xi32, #tpu.memory_space<vmem>>, vector<16xi32>,
      %gather3A_187 = tpu.vector_load_idx %arg10[%get3A_186] : memref<20480xf32, #tpu.memory_space<vmem>>[vector<16xi32>], vector<16xf32>,
      %swap3A_188 = arith.index_cast %add3A_184 : i32 to index
      %swap3A_189 = tpu.vector_load %arg9[%swap3A_188] {strides = array<i32>} : memref<20096xf32, #tpu.memory_space<vmem>>, vector<16xf32>,
      tpu.vector_store %arg9[%swap3A_188], %gather3A_187 {strides = array<i32>} : memref<20096xf32, #tpu.memory_space<vmem>>, vector<16xf32>,
      %add3A_190 = arith.constant 80 : i32
      %add3A_191 = arith.addi %mul3A_154, %add3A_190 : i32
      %get3A_192 = arith.index_cast %add3A_191 : i32 to index
      %get3A_193 = tpu.vector_load %arg6[%get3A_192] {strides = array<i32>} : memref<20096xi32, #tpu.memory_space<vmem>>, vector<16xi32>,
      %gather3A_194 = tpu.vector_load_idx %arg10[%get3A_193] : memref<20480xf32, #tpu.memory_space<vmem>>[vector<16xi32>], vector<16xf32>,
      %swap3A_195 = arith.index_cast %add3A_191 : i32 to index
      %swap3A_196 = tpu.vector_load %arg9[%swap3A_195] {strides = array<i32>} : memref<20096xf32, #tpu.memory_space<vmem>>, vector<16xf32>,
      tpu.vector_store %arg9[%swap3A_195], %gather3A_194 {strides = array<i32>} : memref<20096xf32, #tpu.memory_space<vmem>>, vector<16xf32>,
      %add3A_197 = arith.constant 96 : i32
      %add3A_198 = arith.addi %mul3A_154, %add3A_197 : i32
      %get3A_199 = arith.index_cast %add3A_198 : i32 to index
      %get3A_200 = tpu.vector_load %arg6[%get3A_199] {strides = array<i32>} : memref<20096xi32, #tpu.memory_space<vmem>>, vector<16xi32>,
      %gather3A_201 = tpu.vector_load_idx %arg10[%get3A_200] : memref<20480xf32, #tpu.memory_space<vmem>>[vector<16xi32>], vector<16xf32>,
      %swap3A_202 = arith.index_cast %add3A_198 : i32 to index
      %swap3A_203 = tpu.vector_load %arg9[%swap3A_202] {strides = array<i32>} : memref<20096xf32, #tpu.memory_space<vmem>>, vector<16xf32>,
      tpu.vector_store %arg9[%swap3A_202], %gather3A_201 {strides = array<i32>} : memref<20096xf32, #tpu.memory_space<vmem>>, vector<16xf32>,
      %add3A_204 = arith.constant 112 : i32
      %add3A_205 = arith.addi %mul3A_154, %add3A_204 : i32
      %get3A_206 = arith.index_cast %add3A_205 : i32 to index
      %get3A_207 = tpu.vector_load %arg6[%get3A_206] {strides = array<i32>} : memref<20096xi32, #tpu.memory_space<vmem>>, vector<16xi32>,
      %gather3A_208 = tpu.vector_load_idx %arg10[%get3A_207] : memref<20480xf32, #tpu.memory_space<vmem>>[vector<16xi32>], vector<16xf32>,
      %swap3A_209 = arith.index_cast %add3A_205 : i32 to index
      %swap3A_210 = tpu.vector_load %arg9[%swap3A_209] {strides = array<i32>} : memref<20096xf32, #tpu.memory_space<vmem>>, vector<16xf32>,
      tpu.vector_store %arg9[%swap3A_209], %gather3A_208 {strides = array<i32>} : memref<20096xf32, #tpu.memory_space<vmem>>, vector<16xf32>,
      %dma_start3A_211 = tpu.memref_slice %arg9[%mul3A_154] : memref<20096xf32, #tpu.memory_space<vmem>> -> memref<128xf32, #tpu.memory_space<vmem>>
      %dma_start3A_212 = tpu.memref_slice %arg7[%mul3A_154] : memref<20096xi32, #tpu.memory_space<vmem>> -> memref<128xi32, #tpu.memory_space<vmem>>
      %dma_start3A_213 = arith.constant 0 : i32
      %dma_start3A_214 = tpu.memref_slice %arg13[%dma_start3A_213] : memref<10240xf32, #tpu.memory_space<vmem_shared>> -> memref<10240xf32, #tpu.memory_space<vmem_shared>>
      tpu.enqueue_indirect_dma source(%dma_start3A_211 : memref<128xf32, #tpu.memory_space<vmem>>) target(%dma_start3A_214 : memref<10240xf32, #tpu.memory_space<vmem_shared>>) offsets(%dma_start3A_212 : memref<128xi32, #tpu.memory_space<vmem>>) semaphore(%arg15 : memref<!tpu.dma_semaphore, #tpu.memory_space<semaphore_mem>>) {add = true}
      %scan3A_215 = arith.constant 0 : i32
      scf.yield %scan3A_215 : i32
    }
    %scan3A_37 = arith.constant 156 : i32
    %get3A = arith.constant 19968 : index
    %get3A_38 = tpu.vector_load %arg6[%get3A] {strides = array<i32>} : memref<20096xi32, #tpu.memory_space<vmem>>, vector<16xi32>,
    %gather3A = tpu.vector_load_idx %arg10[%get3A_38] : memref<20480xf32, #tpu.memory_space<vmem>>[vector<16xi32>], vector<16xf32>,
    %swap3A = arith.constant 19968 : index
    %swap3A_39 = tpu.vector_load %arg9[%swap3A] {strides = array<i32>} : memref<20096xf32, #tpu.memory_space<vmem>>, vector<16xf32>,
    tpu.vector_store %arg9[%swap3A], %gather3A {strides = array<i32>} : memref<20096xf32, #tpu.memory_space<vmem>>, vector<16xf32>,
    %get3A_40 = arith.constant 19984 : index
    %get3A_41 = tpu.vector_load %arg6[%get3A_40] {strides = array<i32>} : memref<20096xi32, #tpu.memory_space<vmem>>, vector<16xi32>,
    %gather3A_42 = tpu.vector_load_idx %arg10[%get3A_41] : memref<20480xf32, #tpu.memory_space<vmem>>[vector<16xi32>], vector<16xf32>,
    %swap3A_43 = arith.constant 19984 : index
    %swap3A_44 = tpu.vector_load %arg9[%swap3A_43] {strides = array<i32>} : memref<20096xf32, #tpu.memory_space<vmem>>, vector<16xf32>,
    tpu.vector_store %arg9[%swap3A_43], %gather3A_42 {strides = array<i32>} : memref<20096xf32, #tpu.memory_space<vmem>>, vector<16xf32>,
    %broadcast_in_dim3A = arith.constant 0.000000e+00 : f32
    %broadcast_in_dim3A_45 = vector.broadcast %broadcast_in_dim3A : f32 to vector<16xf32>
    %swap3A_46 = arith.constant 20000 : index
    %swap3A_47 = tpu.vector_load %arg9[%swap3A_46] {strides = array<i32>} : memref<20096xf32, #tpu.memory_space<vmem>>, vector<16xf32>,
    tpu.vector_store %arg9[%swap3A_46], %broadcast_in_dim3A_45 {strides = array<i32>} : memref<20096xf32, #tpu.memory_space<vmem>>, vector<16xf32>,
    %broadcast_in_dim3A_48 = arith.constant 0.000000e+00 : f32
    %broadcast_in_dim3A_49 = vector.broadcast %broadcast_in_dim3A_48 : f32 to vector<16xf32>
    %swap3A_50 = arith.constant 20016 : index
    %swap3A_51 = tpu.vector_load %arg9[%swap3A_50] {strides = array<i32>} : memref<20096xf32, #tpu.memory_space<vmem>>, vector<16xf32>,
    tpu.vector_store %arg9[%swap3A_50], %broadcast_in_dim3A_49 {strides = array<i32>} : memref<20096xf32, #tpu.memory_space<vmem>>, vector<16xf32>,
    %broadcast_in_dim3A_52 = arith.constant 0.000000e+00 : f32
    %broadcast_in_dim3A_53 = vector.broadcast %broadcast_in_dim3A_52 : f32 to vector<16xf32>
    %swap3A_54 = arith.constant 20032 : index
    %swap3A_55 = tpu.vector_load %arg9[%swap3A_54] {strides = array<i32>} : memref<20096xf32, #tpu.memory_space<vmem>>, vector<16xf32>,
    tpu.vector_store %arg9[%swap3A_54], %broadcast_in_dim3A_53 {strides = array<i32>} : memref<20096xf32, #tpu.memory_space<vmem>>, vector<16xf32>,
    %broadcast_in_dim3A_56 = arith.constant 0.000000e+00 : f32
    %broadcast_in_dim3A_57 = vector.broadcast %broadcast_in_dim3A_56 : f32 to vector<16xf32>
    %swap3A_58 = arith.constant 20048 : index
    %swap3A_59 = tpu.vector_load %arg9[%swap3A_58] {strides = array<i32>} : memref<20096xf32, #tpu.memory_space<vmem>>, vector<16xf32>,
    tpu.vector_store %arg9[%swap3A_58], %broadcast_in_dim3A_57 {strides = array<i32>} : memref<20096xf32, #tpu.memory_space<vmem>>, vector<16xf32>,
    %broadcast_in_dim3A_60 = arith.constant 0.000000e+00 : f32
    %broadcast_in_dim3A_61 = vector.broadcast %broadcast_in_dim3A_60 : f32 to vector<16xf32>
    %swap3A_62 = arith.constant 20064 : index
    %swap3A_63 = tpu.vector_load %arg9[%swap3A_62] {strides = array<i32>} : memref<20096xf32, #tpu.memory_space<vmem>>, vector<16xf32>,
    tpu.vector_store %arg9[%swap3A_62], %broadcast_in_dim3A_61 {strides = array<i32>} : memref<20096xf32, #tpu.memory_space<vmem>>, vector<16xf32>,
    %broadcast_in_dim3A_64 = arith.constant 0.000000e+00 : f32
    %broadcast_in_dim3A_65 = vector.broadcast %broadcast_in_dim3A_64 : f32 to vector<16xf32>
    %swap3A_66 = arith.constant 20080 : index
    %swap3A_67 = tpu.vector_load %arg9[%swap3A_66] {strides = array<i32>} : memref<20096xf32, #tpu.memory_space<vmem>>, vector<16xf32>,
    tpu.vector_store %arg9[%swap3A_66], %broadcast_in_dim3A_65 {strides = array<i32>} : memref<20096xf32, #tpu.memory_space<vmem>>, vector<16xf32>,
    %dma_start3A_68 = arith.constant 19968 : i32
    %dma_start3A_69 = tpu.memref_slice %arg9[%dma_start3A_68] : memref<20096xf32, #tpu.memory_space<vmem>> -> memref<128xf32, #tpu.memory_space<vmem>>
    %dma_start3A_70 = arith.constant 19968 : i32
    %dma_start3A_71 = tpu.memref_slice %arg7[%dma_start3A_70] : memref<20096xi32, #tpu.memory_space<vmem>> -> memref<128xi32, #tpu.memory_space<vmem>>
    %dma_start3A_72 = arith.constant 0 : i32
    %dma_start3A_73 = tpu.memref_slice %arg13[%dma_start3A_72] : memref<10240xf32, #tpu.memory_space<vmem_shared>> -> memref<10240xf32, #tpu.memory_space<vmem_shared>>
    tpu.enqueue_indirect_dma source(%dma_start3A_69 : memref<128xf32, #tpu.memory_space<vmem>>) target(%dma_start3A_73 : memref<10240xf32, #tpu.memory_space<vmem_shared>>) offsets(%dma_start3A_71 : memref<128xi32, #tpu.memory_space<vmem>>) semaphore(%arg15 : memref<!tpu.dma_semaphore, #tpu.memory_space<semaphore_mem>>) {add = true}
    %scan3A_74 = arith.constant 0 : i32
    %scan3A_75 = arith.constant 0 : i32
    %scan3A_76 = arith.constant 157 : i32
    %scan3A_77 = arith.addi %scan3A_75, %scan3A_76 : i32
    %scan3A_78 = arith.constant 1 : i32
    %scan3A_79 = scf.for %scan3A_151 = %scan3A_75 to %scan3A_77 step %scan3A_78 iter_args(%scan3A_152 = %scan3A_74) -> (i32)  : i32 {
      %dma_wait3A_153 = arith.constant 0 : i32
      %dma_wait3A_154 = tpu.memref_slice %arg9[%dma_wait3A_153] : memref<20096xf32, #tpu.memory_space<vmem>> -> memref<128xf32, #tpu.memory_space<vmem>>
      %dma_wait3A_155 = arith.constant 0 : i32
      %dma_wait3A_156 = tpu.memref_slice %arg7[%dma_wait3A_155] : memref<20096xi32, #tpu.memory_space<vmem>> -> memref<128xi32, #tpu.memory_space<vmem>>
      %dma_wait3A_157 = arith.constant 0 : i32
      %dma_wait3A_158 = tpu.memref_slice %arg13[%dma_wait3A_157] : memref<10240xf32, #tpu.memory_space<vmem_shared>> -> memref<10240xf32, #tpu.memory_space<vmem_shared>>
      tpu.wait_indirect_dma semaphore(%arg15 : memref<!tpu.dma_semaphore, #tpu.memory_space<semaphore_mem>>) src(%dma_wait3A_154 : memref<128xf32, #tpu.memory_space<vmem>>) dst(%dma_wait3A_158 : memref<10240xf32, #tpu.memory_space<vmem_shared>>)
      %scan3A_159 = arith.constant 0 : i32
      scf.yield %scan3A_159 : i32
    }
    %scan3A_80 = arith.constant 157 : i32
    %barrier3A_81 = arith.constant 0 : index
    tpu.barrier barrier_id(%barrier3A_81)
    "tpu.region"() ({
      %run_scoped3A = tpu.sem_alloc : memref<!tpu.dma_semaphore, #tpu.memory_space<semaphore_mem>>
      tpu.enqueue_dma source(%arg13 : memref<10240xf32, #tpu.memory_space<vmem_shared>>) target(%arg11 : memref<10240xf32, #tpu.memory_space<vmem>>) target_semaphore(%run_scoped3A : memref<!tpu.dma_semaphore, #tpu.memory_space<semaphore_mem>>)
      tpu.wait_dma2 semaphore(%run_scoped3A : memref<!tpu.dma_semaphore, #tpu.memory_space<semaphore_mem>>) src(%arg13 : memref<10240xf32, #tpu.memory_space<vmem_shared>>) dst(%arg11 : memref<10240xf32, #tpu.memory_space<vmem>>)
      tpu.yield
    }) : () -> ()
    %scan3A_82 = arith.constant 0 : i32
    %scan3A_83 = arith.constant 0 : i32
    %scan3A_84 = arith.constant 640 : i32
    %scan3A_85 = arith.addi %scan3A_83, %scan3A_84 : i32
    %scan3A_86 = arith.constant 1 : i32
    %scan3A_87 = scf.for %scan3A_151 = %scan3A_83 to %scan3A_85 step %scan3A_86 iter_args(%scan3A_152 = %scan3A_82) -> (i32)  : i32 {
      %mul3A_153 = arith.constant 16 : i32
      %mul3A_154 = arith.muli %scan3A_151, %mul3A_153 : i32
      %get3A_155 = arith.index_cast %mul3A_154 : i32 to index
      %get3A_156 = tpu.vector_load %arg11[%get3A_155] {strides = array<i32>} : memref<10240xf32, #tpu.memory_space<vmem>>, vector<16xf32>,
      %div3A_157 = arith.constant 1.000000e+00 : f32
      %div3A_158 = vector.broadcast %div3A_157 : f32 to vector<16xf32>
      %div3A_159 = arith.divf %div3A_158, %get3A_156 : vector<16xf32>
      %swap3A_160 = arith.index_cast %mul3A_154 : i32 to index
      %swap3A_161 = tpu.vector_load %arg11[%swap3A_160] {strides = array<i32>} : memref<10240xf32, #tpu.memory_space<vmem>>, vector<16xf32>,
      tpu.vector_store %arg11[%swap3A_160], %div3A_159 {strides = array<i32>} : memref<10240xf32, #tpu.memory_space<vmem>>, vector<16xf32>,
      %scan3A_162 = arith.constant 0 : i32
      scf.yield %scan3A_162 : i32
    }
    %scan3A_88 = arith.constant 640 : i32
    %scan3A_89 = arith.constant 0 : i32
    %scan3A_90 = arith.constant 0 : i32
    %scan3A_91 = arith.constant 156 : i32
    %scan3A_92 = arith.addi %scan3A_90, %scan3A_91 : i32
    %scan3A_93 = arith.constant 1 : i32
    %scan3A_94 = scf.for %scan3A_151 = %scan3A_90 to %scan3A_92 step %scan3A_93 iter_args(%scan3A_152 = %scan3A_89) -> (i32)  : i32 {
      %mul3A_153 = arith.constant 128 : i32
      %mul3A_154 = arith.muli %scan3A_151, %mul3A_153 : i32
      %add3A_155 = arith.constant 0 : i32
      %add3A_156 = arith.addi %mul3A_154, %add3A_155 : i32
      %get3A_157 = arith.index_cast %add3A_156 : i32 to index
      %get3A_158 = tpu.vector_load %arg7[%get3A_157] {strides = array<i32>} : memref<20096xi32, #tpu.memory_space<vmem>>, vector<16xi32>,
      %gather3A_159 = tpu.vector_load_idx %arg11[%get3A_158] : memref<10240xf32, #tpu.memory_space<vmem>>[vector<16xi32>], vector<16xf32>,
      %get3A_160 = arith.index_cast %add3A_156 : i32 to index
      %get3A_161 = tpu.vector_load %arg8[%get3A_160] {strides = array<i32>} : memref<20096xf32, #tpu.memory_space<vmem>>, vector<16xf32>,
      %get3A_162 = arith.index_cast %add3A_156 : i32 to index
      %get3A_163 = tpu.vector_load %arg9[%get3A_162] {strides = array<i32>} : memref<20096xf32, #tpu.memory_space<vmem>>, vector<16xf32>,
      %mul3A_164 = arith.mulf %get3A_163, %gather3A_159 : vector<16xf32>
      %add3A_165 = arith.addf %get3A_161, %mul3A_164 : vector<16xf32>
      %neg3A_166 = arith.constant 0.000000e+00 : f32
      %neg3A_167 = vector.broadcast %neg3A_166 : f32 to vector<16xf32>
      %neg3A_168 = arith.subf %neg3A_167, %add3A_165 : vector<16xf32>
      %exp3A_169 = math.exp %neg3A_168 : vector<16xf32>
      %add3A_170 = arith.constant 1.000000e+00 : f32
      %add3A_171 = vector.broadcast %add3A_170 : f32 to vector<16xf32>
      %add3A_172 = arith.addf %add3A_171, %exp3A_169 : vector<16xf32>
      %div3A_173 = arith.constant 1.000000e+00 : f32
      %div3A_174 = vector.broadcast %div3A_173 : f32 to vector<16xf32>
      %div3A_175 = arith.divf %div3A_174, %add3A_172 : vector<16xf32>
      %swap3A_176 = arith.index_cast %add3A_156 : i32 to index
      %swap3A_177 = tpu.vector_load %arg9[%swap3A_176] {strides = array<i32>} : memref<20096xf32, #tpu.memory_space<vmem>>, vector<16xf32>,
      tpu.vector_store %arg9[%swap3A_176], %div3A_175 {strides = array<i32>} : memref<20096xf32, #tpu.memory_space<vmem>>, vector<16xf32>,
      %add3A_178 = arith.constant 16 : i32
      %add3A_179 = arith.addi %mul3A_154, %add3A_178 : i32
      %get3A_180 = arith.index_cast %add3A_179 : i32 to index
      %get3A_181 = tpu.vector_load %arg7[%get3A_180] {strides = array<i32>} : memref<20096xi32, #tpu.memory_space<vmem>>, vector<16xi32>,
      %gather3A_182 = tpu.vector_load_idx %arg11[%get3A_181] : memref<10240xf32, #tpu.memory_space<vmem>>[vector<16xi32>], vector<16xf32>,
      %get3A_183 = arith.index_cast %add3A_179 : i32 to index
      %get3A_184 = tpu.vector_load %arg8[%get3A_183] {strides = array<i32>} : memref<20096xf32, #tpu.memory_space<vmem>>, vector<16xf32>,
      %get3A_185 = arith.index_cast %add3A_179 : i32 to index
      %get3A_186 = tpu.vector_load %arg9[%get3A_185] {strides = array<i32>} : memref<20096xf32, #tpu.memory_space<vmem>>, vector<16xf32>,
      %mul3A_187 = arith.mulf %get3A_186, %gather3A_182 : vector<16xf32>
      %add3A_188 = arith.addf %get3A_184, %mul3A_187 : vector<16xf32>
      %neg3A_189 = arith.constant 0.000000e+00 : f32
      %neg3A_190 = vector.broadcast %neg3A_189 : f32 to vector<16xf32>
      %neg3A_191 = arith.subf %neg3A_190, %add3A_188 : vector<16xf32>
      %exp3A_192 = math.exp %neg3A_191 : vector<16xf32>
      %add3A_193 = arith.constant 1.000000e+00 : f32
      %add3A_194 = vector.broadcast %add3A_193 : f32 to vector<16xf32>
      %add3A_195 = arith.addf %add3A_194, %exp3A_192 : vector<16xf32>
      %div3A_196 = arith.constant 1.000000e+00 : f32
      %div3A_197 = vector.broadcast %div3A_196 : f32 to vector<16xf32>
      %div3A_198 = arith.divf %div3A_197, %add3A_195 : vector<16xf32>
      %swap3A_199 = arith.index_cast %add3A_179 : i32 to index
      %swap3A_200 = tpu.vector_load %arg9[%swap3A_199] {strides = array<i32>} : memref<20096xf32, #tpu.memory_space<vmem>>, vector<16xf32>,
      tpu.vector_store %arg9[%swap3A_199], %div3A_198 {strides = array<i32>} : memref<20096xf32, #tpu.memory_space<vmem>>, vector<16xf32>,
      %add3A_201 = arith.constant 32 : i32
      %add3A_202 = arith.addi %mul3A_154, %add3A_201 : i32
      %get3A_203 = arith.index_cast %add3A_202 : i32 to index
      %get3A_204 = tpu.vector_load %arg7[%get3A_203] {strides = array<i32>} : memref<20096xi32, #tpu.memory_space<vmem>>, vector<16xi32>,
      %gather3A_205 = tpu.vector_load_idx %arg11[%get3A_204] : memref<10240xf32, #tpu.memory_space<vmem>>[vector<16xi32>], vector<16xf32>,
      %get3A_206 = arith.index_cast %add3A_202 : i32 to index
      %get3A_207 = tpu.vector_load %arg8[%get3A_206] {strides = array<i32>} : memref<20096xf32, #tpu.memory_space<vmem>>, vector<16xf32>,
      %get3A_208 = arith.index_cast %add3A_202 : i32 to index
      %get3A_209 = tpu.vector_load %arg9[%get3A_208] {strides = array<i32>} : memref<20096xf32, #tpu.memory_space<vmem>>, vector<16xf32>,
      %mul3A_210 = arith.mulf %get3A_209, %gather3A_205 : vector<16xf32>
      %add3A_211 = arith.addf %get3A_207, %mul3A_210 : vector<16xf32>
      %neg3A_212 = arith.constant 0.000000e+00 : f32
      %neg3A_213 = vector.broadcast %neg3A_212 : f32 to vector<16xf32>
      %neg3A_214 = arith.subf %neg3A_213, %add3A_211 : vector<16xf32>
      %exp3A_215 = math.exp %neg3A_214 : vector<16xf32>
      %add3A_216 = arith.constant 1.000000e+00 : f32
      %add3A_217 = vector.broadcast %add3A_216 : f32 to vector<16xf32>
      %add3A_218 = arith.addf %add3A_217, %exp3A_215 : vector<16xf32>
      %div3A_219 = arith.constant 1.000000e+00 : f32
      %div3A_220 = vector.broadcast %div3A_219 : f32 to vector<16xf32>
      %div3A_221 = arith.divf %div3A_220, %add3A_218 : vector<16xf32>
      %swap3A_222 = arith.index_cast %add3A_202 : i32 to index
      %swap3A_223 = tpu.vector_load %arg9[%swap3A_222] {strides = array<i32>} : memref<20096xf32, #tpu.memory_space<vmem>>, vector<16xf32>,
      tpu.vector_store %arg9[%swap3A_222], %div3A_221 {strides = array<i32>} : memref<20096xf32, #tpu.memory_space<vmem>>, vector<16xf32>,
      %add3A_224 = arith.constant 48 : i32
      %add3A_225 = arith.addi %mul3A_154, %add3A_224 : i32
      %get3A_226 = arith.index_cast %add3A_225 : i32 to index
      %get3A_227 = tpu.vector_load %arg7[%get3A_226] {strides = array<i32>} : memref<20096xi32, #tpu.memory_space<vmem>>, vector<16xi32>,
      %gather3A_228 = tpu.vector_load_idx %arg11[%get3A_227] : memref<10240xf32, #tpu.memory_space<vmem>>[vector<16xi32>], vector<16xf32>,
      %get3A_229 = arith.index_cast %add3A_225 : i32 to index
      %get3A_230 = tpu.vector_load %arg8[%get3A_229] {strides = array<i32>} : memref<20096xf32, #tpu.memory_space<vmem>>, vector<16xf32>,
      %get3A_231 = arith.index_cast %add3A_225 : i32 to index
      %get3A_232 = tpu.vector_load %arg9[%get3A_231] {strides = array<i32>} : memref<20096xf32, #tpu.memory_space<vmem>>, vector<16xf32>,
      %mul3A_233 = arith.mulf %get3A_232, %gather3A_228 : vector<16xf32>
      %add3A_234 = arith.addf %get3A_230, %mul3A_233 : vector<16xf32>
      %neg3A_235 = arith.constant 0.000000e+00 : f32
      %neg3A_236 = vector.broadcast %neg3A_235 : f32 to vector<16xf32>
      %neg3A_237 = arith.subf %neg3A_236, %add3A_234 : vector<16xf32>
      %exp3A_238 = math.exp %neg3A_237 : vector<16xf32>
      %add3A_239 = arith.constant 1.000000e+00 : f32
      %add3A_240 = vector.broadcast %add3A_239 : f32 to vector<16xf32>
      %add3A_241 = arith.addf %add3A_240, %exp3A_238 : vector<16xf32>
      %div3A_242 = arith.constant 1.000000e+00 : f32
      %div3A_243 = vector.broadcast %div3A_242 : f32 to vector<16xf32>
      %div3A_244 = arith.divf %div3A_243, %add3A_241 : vector<16xf32>
      %swap3A_245 = arith.index_cast %add3A_225 : i32 to index
      %swap3A_246 = tpu.vector_load %arg9[%swap3A_245] {strides = array<i32>} : memref<20096xf32, #tpu.memory_space<vmem>>, vector<16xf32>,
      tpu.vector_store %arg9[%swap3A_245], %div3A_244 {strides = array<i32>} : memref<20096xf32, #tpu.memory_space<vmem>>, vector<16xf32>,
      %add3A_247 = arith.constant 64 : i32
      %add3A_248 = arith.addi %mul3A_154, %add3A_247 : i32
      %get3A_249 = arith.index_cast %add3A_248 : i32 to index
      %get3A_250 = tpu.vector_load %arg7[%get3A_249] {strides = array<i32>} : memref<20096xi32, #tpu.memory_space<vmem>>, vector<16xi32>,
      %gather3A_251 = tpu.vector_load_idx %arg11[%get3A_250] : memref<10240xf32, #tpu.memory_space<vmem>>[vector<16xi32>], vector<16xf32>,
      %get3A_252 = arith.index_cast %add3A_248 : i32 to index
      %get3A_253 = tpu.vector_load %arg8[%get3A_252] {strides = array<i32>} : memref<20096xf32, #tpu.memory_space<vmem>>, vector<16xf32>,
      %get3A_254 = arith.index_cast %add3A_248 : i32 to index
      %get3A_255 = tpu.vector_load %arg9[%get3A_254] {strides = array<i32>} : memref<20096xf32, #tpu.memory_space<vmem>>, vector<16xf32>,
      %mul3A_256 = arith.mulf %get3A_255, %gather3A_251 : vector<16xf32>
      %add3A_257 = arith.addf %get3A_253, %mul3A_256 : vector<16xf32>
      %neg3A_258 = arith.constant 0.000000e+00 : f32
      %neg3A_259 = vector.broadcast %neg3A_258 : f32 to vector<16xf32>
      %neg3A_260 = arith.subf %neg3A_259, %add3A_257 : vector<16xf32>
      %exp3A_261 = math.exp %neg3A_260 : vector<16xf32>
      %add3A_262 = arith.constant 1.000000e+00 : f32
      %add3A_263 = vector.broadcast %add3A_262 : f32 to vector<16xf32>
      %add3A_264 = arith.addf %add3A_263, %exp3A_261 : vector<16xf32>
      %div3A_265 = arith.constant 1.000000e+00 : f32
      %div3A_266 = vector.broadcast %div3A_265 : f32 to vector<16xf32>
      %div3A_267 = arith.divf %div3A_266, %add3A_264 : vector<16xf32>
      %swap3A_268 = arith.index_cast %add3A_248 : i32 to index
      %swap3A_269 = tpu.vector_load %arg9[%swap3A_268] {strides = array<i32>} : memref<20096xf32, #tpu.memory_space<vmem>>, vector<16xf32>,
      tpu.vector_store %arg9[%swap3A_268], %div3A_267 {strides = array<i32>} : memref<20096xf32, #tpu.memory_space<vmem>>, vector<16xf32>,
      %add3A_270 = arith.constant 80 : i32
      %add3A_271 = arith.addi %mul3A_154, %add3A_270 : i32
      %get3A_272 = arith.index_cast %add3A_271 : i32 to index
      %get3A_273 = tpu.vector_load %arg7[%get3A_272] {strides = array<i32>} : memref<20096xi32, #tpu.memory_space<vmem>>, vector<16xi32>,
      %gather3A_274 = tpu.vector_load_idx %arg11[%get3A_273] : memref<10240xf32, #tpu.memory_space<vmem>>[vector<16xi32>], vector<16xf32>,
      %get3A_275 = arith.index_cast %add3A_271 : i32 to index
      %get3A_276 = tpu.vector_load %arg8[%get3A_275] {strides = array<i32>} : memref<20096xf32, #tpu.memory_space<vmem>>, vector<16xf32>,
      %get3A_277 = arith.index_cast %add3A_271 : i32 to index
      %get3A_278 = tpu.vector_load %arg9[%get3A_277] {strides = array<i32>} : memref<20096xf32, #tpu.memory_space<vmem>>, vector<16xf32>,
      %mul3A_279 = arith.mulf %get3A_278, %gather3A_274 : vector<16xf32>
      %add3A_280 = arith.addf %get3A_276, %mul3A_279 : vector<16xf32>
      %neg3A_281 = arith.constant 0.000000e+00 : f32
      %neg3A_282 = vector.broadcast %neg3A_281 : f32 to vector<16xf32>
      %neg3A_283 = arith.subf %neg3A_282, %add3A_280 : vector<16xf32>
      %exp3A_284 = math.exp %neg3A_283 : vector<16xf32>
      %add3A_285 = arith.constant 1.000000e+00 : f32
      %add3A_286 = vector.broadcast %add3A_285 : f32 to vector<16xf32>
      %add3A_287 = arith.addf %add3A_286, %exp3A_284 : vector<16xf32>
      %div3A_288 = arith.constant 1.000000e+00 : f32
      %div3A_289 = vector.broadcast %div3A_288 : f32 to vector<16xf32>
      %div3A_290 = arith.divf %div3A_289, %add3A_287 : vector<16xf32>
      %swap3A_291 = arith.index_cast %add3A_271 : i32 to index
      %swap3A_292 = tpu.vector_load %arg9[%swap3A_291] {strides = array<i32>} : memref<20096xf32, #tpu.memory_space<vmem>>, vector<16xf32>,
      tpu.vector_store %arg9[%swap3A_291], %div3A_290 {strides = array<i32>} : memref<20096xf32, #tpu.memory_space<vmem>>, vector<16xf32>,
      %add3A_293 = arith.constant 96 : i32
      %add3A_294 = arith.addi %mul3A_154, %add3A_293 : i32
      %get3A_295 = arith.index_cast %add3A_294 : i32 to index
      %get3A_296 = tpu.vector_load %arg7[%get3A_295] {strides = array<i32>} : memref<20096xi32, #tpu.memory_space<vmem>>, vector<16xi32>,
      %gather3A_297 = tpu.vector_load_idx %arg11[%get3A_296] : memref<10240xf32, #tpu.memory_space<vmem>>[vector<16xi32>], vector<16xf32>,
      %get3A_298 = arith.index_cast %add3A_294 : i32 to index
      %get3A_299 = tpu.vector_load %arg8[%get3A_298] {strides = array<i32>} : memref<20096xf32, #tpu.memory_space<vmem>>, vector<16xf32>,
      %get3A_300 = arith.index_cast %add3A_294 : i32 to index
      %get3A_301 = tpu.vector_load %arg9[%get3A_300] {strides = array<i32>} : memref<20096xf32, #tpu.memory_space<vmem>>, vector<16xf32>,
      %mul3A_302 = arith.mulf %get3A_301, %gather3A_297 : vector<16xf32>
      %add3A_303 = arith.addf %get3A_299, %mul3A_302 : vector<16xf32>
      %neg3A_304 = arith.constant 0.000000e+00 : f32
      %neg3A_305 = vector.broadcast %neg3A_304 : f32 to vector<16xf32>
      %neg3A_306 = arith.subf %neg3A_305, %add3A_303 : vector<16xf32>
      %exp3A_307 = math.exp %neg3A_306 : vector<16xf32>
      %add3A_308 = arith.constant 1.000000e+00 : f32
      %add3A_309 = vector.broadcast %add3A_308 : f32 to vector<16xf32>
      %add3A_310 = arith.addf %add3A_309, %exp3A_307 : vector<16xf32>
      %div3A_311 = arith.constant 1.000000e+00 : f32
      %div3A_312 = vector.broadcast %div3A_311 : f32 to vector<16xf32>
      %div3A_313 = arith.divf %div3A_312, %add3A_310 : vector<16xf32>
      %swap3A_314 = arith.index_cast %add3A_294 : i32 to index
      %swap3A_315 = tpu.vector_load %arg9[%swap3A_314] {strides = array<i32>} : memref<20096xf32, #tpu.memory_space<vmem>>, vector<16xf32>,
      tpu.vector_store %arg9[%swap3A_314], %div3A_313 {strides = array<i32>} : memref<20096xf32, #tpu.memory_space<vmem>>, vector<16xf32>,
      %add3A_316 = arith.constant 112 : i32
      %add3A_317 = arith.addi %mul3A_154, %add3A_316 : i32
      %get3A_318 = arith.index_cast %add3A_317 : i32 to index
      %get3A_319 = tpu.vector_load %arg7[%get3A_318] {strides = array<i32>} : memref<20096xi32, #tpu.memory_space<vmem>>, vector<16xi32>,
      %gather3A_320 = tpu.vector_load_idx %arg11[%get3A_319] : memref<10240xf32, #tpu.memory_space<vmem>>[vector<16xi32>], vector<16xf32>,
      %get3A_321 = arith.index_cast %add3A_317 : i32 to index
      %get3A_322 = tpu.vector_load %arg8[%get3A_321] {strides = array<i32>} : memref<20096xf32, #tpu.memory_space<vmem>>, vector<16xf32>,
      %get3A_323 = arith.index_cast %add3A_317 : i32 to index
      %get3A_324 = tpu.vector_load %arg9[%get3A_323] {strides = array<i32>} : memref<20096xf32, #tpu.memory_space<vmem>>, vector<16xf32>,
      %mul3A_325 = arith.mulf %get3A_324, %gather3A_320 : vector<16xf32>
      %add3A_326 = arith.addf %get3A_322, %mul3A_325 : vector<16xf32>
      %neg3A_327 = arith.constant 0.000000e+00 : f32
      %neg3A_328 = vector.broadcast %neg3A_327 : f32 to vector<16xf32>
      %neg3A_329 = arith.subf %neg3A_328, %add3A_326 : vector<16xf32>
      %exp3A_330 = math.exp %neg3A_329 : vector<16xf32>
      %add3A_331 = arith.constant 1.000000e+00 : f32
      %add3A_332 = vector.broadcast %add3A_331 : f32 to vector<16xf32>
      %add3A_333 = arith.addf %add3A_332, %exp3A_330 : vector<16xf32>
      %div3A_334 = arith.constant 1.000000e+00 : f32
      %div3A_335 = vector.broadcast %div3A_334 : f32 to vector<16xf32>
      %div3A_336 = arith.divf %div3A_335, %add3A_333 : vector<16xf32>
      %swap3A_337 = arith.index_cast %add3A_317 : i32 to index
      %swap3A_338 = tpu.vector_load %arg9[%swap3A_337] {strides = array<i32>} : memref<20096xf32, #tpu.memory_space<vmem>>, vector<16xf32>,
      tpu.vector_store %arg9[%swap3A_337], %div3A_336 {strides = array<i32>} : memref<20096xf32, #tpu.memory_space<vmem>>, vector<16xf32>,
      %dma_start3A_339 = tpu.memref_slice %arg9[%mul3A_154] : memref<20096xf32, #tpu.memory_space<vmem>> -> memref<128xf32, #tpu.memory_space<vmem>>
      %dma_start3A_340 = tpu.memref_slice %arg7[%mul3A_154] : memref<20096xi32, #tpu.memory_space<vmem>> -> memref<128xi32, #tpu.memory_space<vmem>>
      %dma_start3A_341 = arith.constant 0 : i32
      %dma_start3A_342 = tpu.memref_slice %arg14[%dma_start3A_341] : memref<10240xf32, #tpu.memory_space<vmem_shared>> -> memref<10240xf32, #tpu.memory_space<vmem_shared>>
      tpu.enqueue_indirect_dma source(%dma_start3A_339 : memref<128xf32, #tpu.memory_space<vmem>>) target(%dma_start3A_342 : memref<10240xf32, #tpu.memory_space<vmem_shared>>) offsets(%dma_start3A_340 : memref<128xi32, #tpu.memory_space<vmem>>) semaphore(%arg15 : memref<!tpu.dma_semaphore, #tpu.memory_space<semaphore_mem>>) {add = true}
      %scan3A_343 = arith.constant 0 : i32
      scf.yield %scan3A_343 : i32
    }
    %scan3A_95 = arith.constant 156 : i32
    %get3A_96 = arith.constant 19968 : index
    %get3A_97 = tpu.vector_load %arg7[%get3A_96] {strides = array<i32>} : memref<20096xi32, #tpu.memory_space<vmem>>, vector<16xi32>,
    %gather3A_98 = tpu.vector_load_idx %arg11[%get3A_97] : memref<10240xf32, #tpu.memory_space<vmem>>[vector<16xi32>], vector<16xf32>,
    %get3A_99 = arith.constant 19968 : index
    %get3A_100 = tpu.vector_load %arg8[%get3A_99] {strides = array<i32>} : memref<20096xf32, #tpu.memory_space<vmem>>, vector<16xf32>,
    %get3A_101 = arith.constant 19968 : index
    %get3A_102 = tpu.vector_load %arg9[%get3A_101] {strides = array<i32>} : memref<20096xf32, #tpu.memory_space<vmem>>, vector<16xf32>,
    %mul3A_103 = arith.mulf %get3A_102, %gather3A_98 : vector<16xf32>
    %add3A_104 = arith.addf %get3A_100, %mul3A_103 : vector<16xf32>
    %neg3A = arith.constant 0.000000e+00 : f32
    %neg3A_105 = vector.broadcast %neg3A : f32 to vector<16xf32>
    %neg3A_106 = arith.subf %neg3A_105, %add3A_104 : vector<16xf32>
    %exp3A = math.exp %neg3A_106 : vector<16xf32>
    %add3A_107 = arith.constant 1.000000e+00 : f32
    %add3A_108 = vector.broadcast %add3A_107 : f32 to vector<16xf32>
    %add3A_109 = arith.addf %add3A_108, %exp3A : vector<16xf32>
    %div3A = arith.constant 1.000000e+00 : f32
    %div3A_110 = vector.broadcast %div3A : f32 to vector<16xf32>
    %div3A_111 = arith.divf %div3A_110, %add3A_109 : vector<16xf32>
    %swap3A_112 = arith.constant 19968 : index
    %swap3A_113 = tpu.vector_load %arg9[%swap3A_112] {strides = array<i32>} : memref<20096xf32, #tpu.memory_space<vmem>>, vector<16xf32>,
    tpu.vector_store %arg9[%swap3A_112], %div3A_111 {strides = array<i32>} : memref<20096xf32, #tpu.memory_space<vmem>>, vector<16xf32>,
    %get3A_114 = arith.constant 19984 : index
    %get3A_115 = tpu.vector_load %arg7[%get3A_114] {strides = array<i32>} : memref<20096xi32, #tpu.memory_space<vmem>>, vector<16xi32>,
    %gather3A_116 = tpu.vector_load_idx %arg11[%get3A_115] : memref<10240xf32, #tpu.memory_space<vmem>>[vector<16xi32>], vector<16xf32>,
    %get3A_117 = arith.constant 19984 : index
    %get3A_118 = tpu.vector_load %arg8[%get3A_117] {strides = array<i32>} : memref<20096xf32, #tpu.memory_space<vmem>>, vector<16xf32>,
    %get3A_119 = arith.constant 19984 : index
    %get3A_120 = tpu.vector_load %arg9[%get3A_119] {strides = array<i32>} : memref<20096xf32, #tpu.memory_space<vmem>>, vector<16xf32>,
    %mul3A_121 = arith.mulf %get3A_120, %gather3A_116 : vector<16xf32>
    %add3A_122 = arith.addf %get3A_118, %mul3A_121 : vector<16xf32>
    %neg3A_123 = arith.constant 0.000000e+00 : f32
    %neg3A_124 = vector.broadcast %neg3A_123 : f32 to vector<16xf32>
    %neg3A_125 = arith.subf %neg3A_124, %add3A_122 : vector<16xf32>
    %exp3A_126 = math.exp %neg3A_125 : vector<16xf32>
    %add3A_127 = arith.constant 1.000000e+00 : f32
    %add3A_128 = vector.broadcast %add3A_127 : f32 to vector<16xf32>
    %add3A_129 = arith.addf %add3A_128, %exp3A_126 : vector<16xf32>
    %div3A_130 = arith.constant 1.000000e+00 : f32
    %div3A_131 = vector.broadcast %div3A_130 : f32 to vector<16xf32>
    %div3A_132 = arith.divf %div3A_131, %add3A_129 : vector<16xf32>
    %swap3A_133 = arith.constant 19984 : index
    %swap3A_134 = tpu.vector_load %arg9[%swap3A_133] {strides = array<i32>} : memref<20096xf32, #tpu.memory_space<vmem>>, vector<16xf32>,
    tpu.vector_store %arg9[%swap3A_133], %div3A_132 {strides = array<i32>} : memref<20096xf32, #tpu.memory_space<vmem>>, vector<16xf32>,
    %dma_start3A_135 = arith.constant 19968 : i32
    %dma_start3A_136 = tpu.memref_slice %arg9[%dma_start3A_135] : memref<20096xf32, #tpu.memory_space<vmem>> -> memref<128xf32, #tpu.memory_space<vmem>>
    %dma_start3A_137 = arith.constant 19968 : i32
    %dma_start3A_138 = tpu.memref_slice %arg7[%dma_start3A_137] : memref<20096xi32, #tpu.memory_space<vmem>> -> memref<128xi32, #tpu.memory_space<vmem>>
    %dma_start3A_139 = arith.constant 0 : i32
    %dma_start3A_140 = tpu.memref_slice %arg14[%dma_start3A_139] : memref<10240xf32, #tpu.memory_space<vmem_shared>> -> memref<10240xf32, #tpu.memory_space<vmem_shared>>
    tpu.enqueue_indirect_dma source(%dma_start3A_136 : memref<128xf32, #tpu.memory_space<vmem>>) target(%dma_start3A_140 : memref<10240xf32, #tpu.memory_space<vmem_shared>>) offsets(%dma_start3A_138 : memref<128xi32, #tpu.memory_space<vmem>>) semaphore(%arg15 : memref<!tpu.dma_semaphore, #tpu.memory_space<semaphore_mem>>) {add = true}
    %scan3A_141 = arith.constant 0 : i32
    %scan3A_142 = arith.constant 0 : i32
    %scan3A_143 = arith.constant 157 : i32
    %scan3A_144 = arith.addi %scan3A_142, %scan3A_143 : i32
    %scan3A_145 = arith.constant 1 : i32
    %scan3A_146 = scf.for %scan3A_151 = %scan3A_142 to %scan3A_144 step %scan3A_145 iter_args(%scan3A_152 = %scan3A_141) -> (i32)  : i32 {
      %dma_wait3A_153 = arith.constant 0 : i32
      %dma_wait3A_154 = tpu.memref_slice %arg9[%dma_wait3A_153] : memref<20096xf32, #tpu.memory_space<vmem>> -> memref<128xf32, #tpu.memory_space<vmem>>
      %dma_wait3A_155 = arith.constant 0 : i32
      %dma_wait3A_156 = tpu.memref_slice %arg7[%dma_wait3A_155] : memref<20096xi32, #tpu.memory_space<vmem>> -> memref<128xi32, #tpu.memory_space<vmem>>
      %dma_wait3A_157 = arith.constant 0 : i32
      %dma_wait3A_158 = tpu.memref_slice %arg14[%dma_wait3A_157] : memref<10240xf32, #tpu.memory_space<vmem_shared>> -> memref<10240xf32, #tpu.memory_space<vmem_shared>>
      tpu.wait_indirect_dma semaphore(%arg15 : memref<!tpu.dma_semaphore, #tpu.memory_space<semaphore_mem>>) src(%dma_wait3A_154 : memref<128xf32, #tpu.memory_space<vmem>>) dst(%dma_wait3A_158 : memref<10240xf32, #tpu.memory_space<vmem_shared>>)
      %scan3A_159 = arith.constant 0 : i32
      scf.yield %scan3A_159 : i32
    }
    %scan3A_147 = arith.constant 157 : i32
    %barrier3A_148 = arith.constant 0 : index
    tpu.barrier barrier_id(%barrier3A_148)
    %eq3A = arith.constant 0 : i32
    %eq3A_149 = arith.cmpi eq, %arg1, %eq3A : i32
    %convert_element_type3A = arith.extui %eq3A_149 : i1 to i32
    %cond3A = arith.constant 0 : i32
    %cond3A_150 = arith.cmpi ne, %convert_element_type3A, %cond3A : i32
    scf.if %cond3A_150 {
      "tpu.region"() ({
        %run_scoped3A = tpu.sem_alloc : memref<!tpu.dma_semaphore, #tpu.memory_space<semaphore_mem>>
        %dma_start3A_151 = arith.constant 0 : i32
        %dma_start3A_152 = tpu.memref_slice %arg5[%arg0, %dma_start3A_151] : memref<2x10240xf32, #tpu.memory_space<hbm>> -> memref<1x10240xf32, #tpu.memory_space<hbm>>
        %dma_start3A_153 = tpu.memref_squeeze %dma_start3A_152 : memref<1x10240xf32, #tpu.memory_space<hbm>> -> memref<10240xf32, #tpu.memory_space<hbm>>
        tpu.enqueue_dma source(%arg14 : memref<10240xf32, #tpu.memory_space<vmem_shared>>) target(%dma_start3A_153 : memref<10240xf32, #tpu.memory_space<hbm>>) target_semaphore(%run_scoped3A : memref<!tpu.dma_semaphore, #tpu.memory_space<semaphore_mem>>)
        %dma_wait3A_154 = arith.constant 0 : i32
        %dma_wait3A_155 = tpu.memref_slice %arg5[%arg0, %dma_wait3A_154] : memref<2x10240xf32, #tpu.memory_space<hbm>> -> memref<1x10240xf32, #tpu.memory_space<hbm>>
        %dma_wait3A_156 = tpu.memref_squeeze %dma_wait3A_155 : memref<1x10240xf32, #tpu.memory_space<hbm>> -> memref<10240xf32, #tpu.memory_space<hbm>>
        tpu.wait_dma2 semaphore(%run_scoped3A : memref<!tpu.dma_semaphore, #tpu.memory_space<semaphore_mem>>) src(%arg14 : memref<10240xf32, #tpu.memory_space<vmem_shared>>) dst(%dma_wait3A_156 : memref<10240xf32, #tpu.memory_space<hbm>>)
        tpu.yield
      }) : () -> ()
    } else {
    }
    return
  }
}

module attributes {stable_mosaic.version = 14 : i64} {
  func.func @_tc1_body(%arg0: memref<10000x128xf32, #tpu.memory_space<vmem>>, %arg1: memref<128x128xf32, #tpu.memory_space<vmem>>, %arg2: memref<1x128xf32, #tpu.memory_space<vmem>>, %arg3: memref<128x128xf32, #tpu.memory_space<vmem>>, %arg4: memref<1x128xf32, #tpu.memory_space<vmem>>, %arg5: memref<128x40xf32, #tpu.memory_space<vmem>>, %arg6: memref<128x2xf32, #tpu.memory_space<vmem>>, %arg7: memref<128x2xf32, #tpu.memory_space<vmem>>, %arg8: memref<10000x2xf32, #tpu.memory_space<vmem>>, %arg9: memref<10000x40xf32, #tpu.memory_space<vmem>>, %arg10: memref<10000x40xf32, #tpu.memory_space<vmem>>) attributes {dimension_semantics = [], scalar_prefetch = 0 : i64, scratch_operands = 0 : i64, tpu.core_type = #tpu.core_type<tc>} {
    %get3A = arith.constant 0 : index
    %get3A_0 = arith.constant 0 : index
    %get3A_1 = vector.load %arg0[%get3A, %get3A_0] : memref<10000x128xf32, #tpu.memory_space<vmem>>, vector<10000x128xf32>
    %get3A_2 = arith.constant 0 : index
    %get3A_3 = arith.constant 0 : index
    %get3A_4 = vector.load %arg1[%get3A_2, %get3A_3] : memref<128x128xf32, #tpu.memory_space<vmem>>, vector<128x128xf32>
    %dot_general3A = arith.constant dense<0.000000e+00> : vector<10000x128xf32>
    %dot_general3A_5 = tpu.matmul %get3A_1, %get3A_4, %dot_general3A {dimension_numbers = #tpu.dot_dimension_numbers<[1], [0], [0], [1], [0, 0, 1, 1], [], []>, transpose_lhs_hint = false} : vector<10000x128xf32>, vector<128x128xf32>, vector<10000x128xf32> -> vector<10000x128xf32>
    %get3A_6 = arith.constant 0 : index
    %get3A_7 = arith.constant 0 : index
    %get3A_8 = vector.load %arg2[%get3A_6, %get3A_7] : memref<1x128xf32, #tpu.memory_space<vmem>>, vector<1x128xf32>
    %add3A = vector.broadcast %get3A_8 : vector<1x128xf32> to vector<10000x128xf32>
    %add3A_9 = arith.addf %dot_general3A_5, %add3A : vector<10000x128xf32>
    %get3A_10 = arith.constant 0 : index
    %get3A_11 = arith.constant 0 : index
    %get3A_12 = vector.load %arg0[%get3A_10, %get3A_11] : memref<10000x128xf32, #tpu.memory_space<vmem>>, vector<10000x128xf32>
    %get3A_13 = arith.constant 0 : index
    %get3A_14 = arith.constant 0 : index
    %get3A_15 = vector.load %arg3[%get3A_13, %get3A_14] : memref<128x128xf32, #tpu.memory_space<vmem>>, vector<128x128xf32>
    %dot_general3A_16 = arith.constant dense<0.000000e+00> : vector<10000x128xf32>
    %dot_general3A_17 = tpu.matmul %get3A_12, %get3A_15, %dot_general3A_16 {dimension_numbers = #tpu.dot_dimension_numbers<[1], [0], [0], [1], [0, 0, 1, 1], [], []>, transpose_lhs_hint = false} : vector<10000x128xf32>, vector<128x128xf32>, vector<10000x128xf32> -> vector<10000x128xf32>
    %get3A_18 = arith.constant 0 : index
    %get3A_19 = arith.constant 0 : index
    %get3A_20 = vector.load %arg4[%get3A_18, %get3A_19] : memref<1x128xf32, #tpu.memory_space<vmem>>, vector<1x128xf32>
    %add3A_21 = vector.broadcast %get3A_20 : vector<1x128xf32> to vector<10000x128xf32>
    %add3A_22 = arith.addf %dot_general3A_17, %add3A_21 : vector<10000x128xf32>
    %get3A_23 = arith.constant 0 : index
    %get3A_24 = arith.constant 0 : index
    %get3A_25 = vector.load %arg5[%get3A_23, %get3A_24] : memref<128x40xf32, #tpu.memory_space<vmem>>, vector<128x40xf32>
    %dot_general3A_26 = arith.constant dense<0.000000e+00> : vector<10000x40xf32>
    %dot_general3A_27 = tpu.matmul %add3A_9, %get3A_25, %dot_general3A_26 {dimension_numbers = #tpu.dot_dimension_numbers<[1], [0], [0], [1], [0, 0, 1, 1], [], []>, transpose_lhs_hint = false} : vector<10000x128xf32>, vector<128x40xf32>, vector<10000x40xf32> -> vector<10000x40xf32>
    %swap3A = arith.constant 0 : index
    %swap3A_28 = arith.constant 0 : index
    %swap3A_29 = vector.load %arg9[%swap3A, %swap3A_28] : memref<10000x40xf32, #tpu.memory_space<vmem>>, vector<10000x40xf32>
    tpu.vector_store %arg9[%swap3A, %swap3A_28], %dot_general3A_27 {strides = array<i32>} : memref<10000x40xf32, #tpu.memory_space<vmem>>, vector<10000x40xf32>,
    %get3A_30 = arith.constant 0 : index
    %get3A_31 = arith.constant 0 : index
    %get3A_32 = vector.load %arg5[%get3A_30, %get3A_31] : memref<128x40xf32, #tpu.memory_space<vmem>>, vector<128x40xf32>
    %dot_general3A_33 = arith.constant dense<0.000000e+00> : vector<10000x40xf32>
    %dot_general3A_34 = tpu.matmul %add3A_22, %get3A_32, %dot_general3A_33 {dimension_numbers = #tpu.dot_dimension_numbers<[1], [0], [0], [1], [0, 0, 1, 1], [], []>, transpose_lhs_hint = false} : vector<10000x128xf32>, vector<128x40xf32>, vector<10000x40xf32> -> vector<10000x40xf32>
    %swap3A_35 = arith.constant 0 : index
    %swap3A_36 = arith.constant 0 : index
    %swap3A_37 = vector.load %arg10[%swap3A_35, %swap3A_36] : memref<10000x40xf32, #tpu.memory_space<vmem>>, vector<10000x40xf32>
    tpu.vector_store %arg10[%swap3A_35, %swap3A_36], %dot_general3A_34 {strides = array<i32>} : memref<10000x40xf32, #tpu.memory_space<vmem>>, vector<10000x40xf32>,
    %get3A_38 = arith.constant 0 : index
    %get3A_39 = arith.constant 0 : index
    %get3A_40 = vector.load %arg6[%get3A_38, %get3A_39] : memref<128x2xf32, #tpu.memory_space<vmem>>, vector<128x2xf32>
    %dot_general3A_41 = arith.constant dense<0.000000e+00> : vector<10000x2xf32>
    %dot_general3A_42 = tpu.matmul %add3A_9, %get3A_40, %dot_general3A_41 {dimension_numbers = #tpu.dot_dimension_numbers<[1], [0], [0], [1], [0, 0, 1, 1], [], []>, transpose_lhs_hint = false} : vector<10000x128xf32>, vector<128x2xf32>, vector<10000x2xf32> -> vector<10000x2xf32>
    %get3A_43 = arith.constant 0 : index
    %get3A_44 = arith.constant 0 : index
    %get3A_45 = vector.load %arg7[%get3A_43, %get3A_44] : memref<128x2xf32, #tpu.memory_space<vmem>>, vector<128x2xf32>
    %dot_general3A_46 = arith.constant dense<0.000000e+00> : vector<10000x2xf32>
    %dot_general3A_47 = tpu.matmul %add3A_22, %get3A_45, %dot_general3A_46 {dimension_numbers = #tpu.dot_dimension_numbers<[1], [0], [0], [1], [0, 0, 1, 1], [], []>, transpose_lhs_hint = false} : vector<10000x128xf32>, vector<128x2xf32>, vector<10000x2xf32> -> vector<10000x2xf32>
    %add3A_48 = arith.addf %dot_general3A_42, %dot_general3A_47 : vector<10000x2xf32>
    %exp3A = math.exp %add3A_48 : vector<10000x2xf32>
    %swap3A_49 = arith.constant 0 : index
    %swap3A_50 = arith.constant 0 : index
    %swap3A_51 = vector.load %arg8[%swap3A_49, %swap3A_50] : memref<10000x2xf32, #tpu.memory_space<vmem>>, vector<10000x2xf32>
    tpu.vector_store %arg8[%swap3A_49, %swap3A_50], %exp3A {strides = array<i32>} : memref<10000x2xf32, #tpu.memory_space<vmem>>, vector<10000x2xf32>,
    return
  }
}

module attributes {stable_mosaic.version = 14 : i64} {
  func.func @_tc2_body(%arg0: memref<10000x40xf32, #tpu.memory_space<vmem>>, %arg1: memref<10000x40xf32, #tpu.memory_space<vmem>>, %arg2: memref<2x10240xf32, #tpu.memory_space<vmem>>, %arg3: memref<1x40xf32, #tpu.memory_space<vmem>>, %arg4: memref<10000x40xf32, #tpu.memory_space<vmem>>) attributes {dimension_semantics = [], scalar_prefetch = 0 : i64, scratch_operands = 0 : i64, tpu.core_type = #tpu.core_type<tc>} {
    %get3A = arith.constant 0 : index
    %get3A_0 = arith.constant 0 : index
    %get3A_1 = vector.load %arg2[%get3A, %get3A_0] : memref<2x10240xf32, #tpu.memory_space<vmem>>, vector<1x10000xf32>
    %transpose3A = tpu.transpose %get3A_1, [1, 0] : vector<1x10000xf32> -> vector<10000x1xf32>
    %get3A_2 = arith.constant 1 : index
    %get3A_3 = arith.constant 0 : index
    %get3A_4 = vector.load %arg2[%get3A_2, %get3A_3] : memref<2x10240xf32, #tpu.memory_space<vmem>>, vector<1x10000xf32>
    %transpose3A_5 = tpu.transpose %get3A_4, [1, 0] : vector<1x10000xf32> -> vector<10000x1xf32>
    %get3A_6 = arith.constant 0 : index
    %get3A_7 = arith.constant 0 : index
    %get3A_8 = vector.load %arg0[%get3A_6, %get3A_7] : memref<10000x40xf32, #tpu.memory_space<vmem>>, vector<10000x40xf32>
    %mul3A = vector.broadcast %transpose3A : vector<10000x1xf32> to vector<10000x40xf32>
    %mul3A_9 = arith.mulf %mul3A, %get3A_8 : vector<10000x40xf32>
    %get3A_10 = arith.constant 0 : index
    %get3A_11 = arith.constant 0 : index
    %get3A_12 = vector.load %arg1[%get3A_10, %get3A_11] : memref<10000x40xf32, #tpu.memory_space<vmem>>, vector<10000x40xf32>
    %mul3A_13 = vector.broadcast %transpose3A_5 : vector<10000x1xf32> to vector<10000x40xf32>
    %mul3A_14 = arith.mulf %mul3A_13, %get3A_12 : vector<10000x40xf32>
    %add3A = arith.addf %mul3A_9, %mul3A_14 : vector<10000x40xf32>
    %get3A_15 = arith.constant 0 : index
    %get3A_16 = arith.constant 0 : index
    %get3A_17 = vector.load %arg3[%get3A_15, %get3A_16] : memref<1x40xf32, #tpu.memory_space<vmem>>, vector<1x40xf32>
    %add3A_18 = vector.broadcast %get3A_17 : vector<1x40xf32> to vector<10000x40xf32>
    %add3A_19 = arith.addf %add3A, %add3A_18 : vector<10000x40xf32>
    %swap3A = arith.constant 0 : index
    %swap3A_20 = arith.constant 0 : index
    %swap3A_21 = vector.load %arg4[%swap3A, %swap3A_20] : memref<10000x40xf32, #tpu.memory_space<vmem>>, vector<10000x40xf32>
    tpu.vector_store %arg4[%swap3A, %swap3A_20], %add3A_19 {strides = array<i32>} : memref<10000x40xf32, #tpu.memory_space<vmem>>, vector<10000x40xf32>,
    return
  }
}

</mosaic_0001>

<sc_bundles>
// kernel: kernel.5.cloned.1.call-start
scs
__scs_entry_jumppad:
0x0: {  	(pc) =	sbr.rel $0x88, $3  }
0x1: {  	(tag) =	ssettag $0x0;
	lr =	simm.s32 $0x1  }
0x2: {  	[smem:$0x3F97] =	sst lr;
	_ =	strace $0xD0000000  }
0x3: {  	_ = 	snop  }
0x4: {  	_ = 	snop  }
0x5: {  	_ = 	snop  }
0x6: {  	_ = 	snop  }
0x7: {  	_ = 	snop  }
__scs_overlays_trampoline_lowered:
0x8: {  	[smem:$0x3FA6] =	sst s0  }
0x9: {  	[smem:$0x3FA7] =	sst s1  }
0xa: {  	[smem:$0x3FA8] =	sst s2  }
0xb: {  	[smem:$0x3FA9] =	sst s3  }
0xc: {  	[smem:$0x3FAA] =	sst s4  }
0xd: {  	[smem:$0x3FAB] =	sst s5  }
0xe: {  	[smem:$0x3FAC] =	sst s6  }
0xf: {  	[smem:$0x3FAD] =	sst s7  }
0x10: {  	[smem:$0x3FAE] =	sst s8  }
0x11: {  	[smem:$0x3FAF] =	sst s9;
	s0 =	simm.s32 @!p0 $0x0  }
0x12: {  	s1 =	sld [smem:$0x3F95];
	s0 =	simm.s32 @p0 $0x1  }
0x13: {  	[smem:$0x3FB0] =	sst s0;
	s0 =	simm.s32 @!p1 $0x0  }
0x14: {  	s2 =	sld [smem:$0x3F94];
	s0 =	simm.s32 @p1 $0x1  }
0x15: {  	[smem:$0x3FB1] =	sst s0;
	s0 =	simm.s32 @!p2 $0x0  }
0x16: {  	s3 =	sld [smem:$0x3FDB];
	s0 =	simm.s32 @p2 $0x1  }
0x17: {  	s4 =	simm.s32 $0x1BF5;
	[smem:$0x3FB3] =	sst s0  }
0x18: {  	s0 =	sld [smem:$0x3F96];
	_ =	swait.ge [sflag:s4], $0x0  }
0x19: {  	s7 =	sld [smem:$0x3F97]  }
0x1a: {  	s8 =	sadd.s32 $0xFFFFE003, lr  }
0x1b: {  	s9 =	sadd.s32 $0xFFFFFEF7, lr;
	s5 =	simm.s32 $0xFFFFFFFF;
	p2 =	slt.u32 s8, $0xFFFFF086  }
0x1c: {  	p1 =	slt.u32 s9, $0xF7A;
	s5 =	simm.s32 @!p2 $0x0  }
0x1d: {  	s5 =	simm.s32 @p1 $0x1;
	p0 =	seq.s32 s7, s2  }
0x1e: {  	s7 =	smul.u32 @!p0 $0xF7A, s2;
	p2 =	seq.s32 @!p0 s5, $0x0  }
0x1f: {  	s9 =	smul.u32 $0xF7A, s1;
	s8 =	simm.s32 @!p0 $0x1BF5;
	p2 =	por !p2, p0  }
0x20: {  	[sflag:s8] =	ssyncset.s32 @!p0 $0xFFFFF086;
	s6 =	sadd.s32 @!p0 s3, s7;
	s7 =	simm.s32 @!p0 $0x108  }
0x21: {  	s3 =	sadd.s32 s3, s9;
	s6 =	sadd.s32 @!p0 $0x88, s6;
	s7 =	simm.s32 @p2 $0x1082  }
0x22: {  	[simem:s7], [sflag:s8] =	dma.local @!p0 [hbm:s6], $0xF7A  }
0x23: {  	s9 =	sor.u32 $0xD0000000, s2;
	s6 =	simm.s32 $0x108;
	_ =	swait.ge @!p0 [sflag:s8], $0x0  }
0x24: {  	s3 =	sadd.s32 $0x88, s3;
	s6 =	simm.s32 @!p1 $0x1082;
	[sflag:s4] =	ssyncset.s32 $0xFFFFF086  }
0x25: {  	[simem:s6], [sflag:s4] =	dma.local [hbm:s3], $0xF7A  }
0x26: {  	[smem:$0x3F97] =	sst s1;
	(tag) =	ssettag s2;
	_ =	strace s9  }
0x27: {  	s1 =	sld [smem:$0x3FA7]  }
0x28: {  	s2 =	sld [smem:$0x3FA8]  }
0x29: {  	s4 =	sld [smem:$0x3FAA]  }
0x2a: {  	p0 =	seq.s32 s5, $0x0;
	s5 =	sld [smem:$0x3FAB]  }
0x2b: {  	s6 =	sld [smem:$0x3FAC]  }
0x2c: {  	s7 =	sld [smem:$0x3FAD]  }
0x2d: {  	s3 =	simm.s32 $0x108;
	s8 =	sld [smem:$0x3FAE]  }
0x2e: {  	s3 =	simm.s32 @!p0 $0x1082;
	s9 =	sld [smem:$0x3FAF]  }
0x2f: {  	lr =	sadd.s32 s0, s3;
	s0 =	sld [smem:$0x3FA6]  }
0x30: {  	s3 =	sld [smem:$0x3FA9]  }
0x31: {  	[smem:$0x3FB2] =	sst s10  }
0x32: {  	s10 =	sld [smem:$0x3FB0];
	_ =	sdelay $0x3  }
0x33: {  	p0 =	seq.s32 s10, $0x1;
	s10 =	sld [smem:$0x3FB2];
	_ =	sdelay $0x3  }
0x34: {  	[smem:$0x3FB2] =	sst s10  }
0x35: {  	s10 =	sld [smem:$0x3FB1];
	_ =	sdelay $0x3  }
0x36: {  	p1 =	seq.s32 s10, $0x1;
	s10 =	sld [smem:$0x3FB2];
	_ =	sdelay $0x3  }
0x37: {  	[smem:$0x3FB2] =	sst s10  }
0x38: {  	s10 =	sld [smem:$0x3FB3]  }
0x39: {  	_ = 	snop;
	(pc) =	sbr.ind lr, $3  }
0x3a: {  	_ = 	snop  }
0x3b: {  	_ = 	snop  }
0x3c: {  	p2 =	seq.s32 s10, $0x1;
	s10 =	sld [smem:$0x3FB2]  }
0x3d: {  	_ =	shalt  }
0x3e: {  	_ =	shalt  }
0x3f: {  	_ =	shalt  }
0x40: {  	_ =	shalt  }
0x41: {  	_ =	shalt  }
0x42: {  	_ =	shalt  }
0x43: {  	_ =	shalt  }
0x44: {  	_ =	shalt  }
0x45: {  	_ =	shalt  }
0x46: {  	_ =	shalt  }
0x47: {  	_ =	shalt  }
0x48: {  	_ =	shalt  }
0x49: {  	_ =	shalt  }
0x4a: {  	_ =	shalt  }
0x4b: {  	_ =	shalt  }
0x4c: {  	_ =	shalt  }
0x4d: {  	_ =	shalt  }
0x4e: {  	_ =	shalt  }
0x4f: {  	_ =	shalt  }
0x50: {  	_ =	shalt  }
0x51: {  	_ =	shalt  }
0x52: {  	_ =	shalt  }
0x53: {  	_ =	shalt  }
0x54: {  	_ =	shalt  }
0x55: {  	_ =	shalt  }
0x56: {  	_ =	shalt  }
0x57: {  	_ =	shalt  }
0x58: {  	_ =	shalt  }
0x59: {  	_ =	shalt  }
0x5a: {  	_ =	shalt  }
0x5b: {  	_ =	shalt  }
0x5c: {  	_ =	shalt  }
0x5d: {  	_ =	shalt  }
0x5e: {  	_ =	shalt  }
0x5f: {  	_ =	shalt  }
0x60: {  	_ =	shalt  }
0x61: {  	_ =	shalt  }
0x62: {  	_ =	shalt  }
0x63: {  	_ =	shalt  }
0x64: {  	_ =	shalt  }
0x65: {  	_ =	shalt  }
0x66: {  	_ =	shalt  }
0x67: {  	_ =	shalt  }
0x68: {  	_ =	shalt  }
0x69: {  	_ =	shalt  }
0x6a: {  	_ =	shalt  }
0x6b: {  	_ =	shalt  }
0x6c: {  	_ =	shalt  }
0x6d: {  	_ =	shalt  }
0x6e: {  	_ =	shalt  }
0x6f: {  	_ =	shalt  }
0x70: {  	_ =	shalt  }
0x71: {  	_ =	shalt  }
0x72: {  	_ =	shalt  }
0x73: {  	_ =	shalt  }
0x74: {  	_ =	shalt  }
0x75: {  	_ =	shalt  }
0x76: {  	_ =	shalt  }
0x77: {  	_ =	shalt  }
0x78: {  	_ =	shalt  }
0x79: {  	_ =	shalt  }
0x7a: {  	_ =	shalt  }
0x7b: {  	_ =	shalt  }
0x7c: {  	_ =	shalt  }
0x7d: {  	_ =	shalt  }
0x7e: {  	_ =	shalt  }
0x7f: {  	_ =	shalt  }
0x80: {  	_ =	shalt  }
0x81: {  	_ =	shalt  }
0x82: {  	_ =	shalt  }
0x83: {  	_ =	shalt  }
0x84: {  	_ =	shalt  }
0x85: {  	_ =	shalt  }
0x86: {  	_ =	shalt  }
0x87: {  	_ =	shalt  }
.Lfunc_end0:
.L_simem_size_0:
called_computation_lowered:
.L_overlay_start_0:
0x88: {  	s2 =	sld [smem:$0x3FD9]  }
0x89: {  	s3 =	sld [smem:$0x3FFE];
	_ =	sdelay $0x1  }
0x8a: {  	s1 =	srdreg.scid  }
0x8b: {  	s0 =	sand.u32 $0x1, s1  }
0x8c: {  	s17 =	sshll.u32 s0, $0xA;
	s2 =	sadd.s32 s3, s2  }
0x8d: {  	s2 =	sadd.s32 s2, s17  }
0x8e: {  	[smem:$0x3FBE] =	sst s2  }
0x8f: {  	_ = 	snop  }
0x90: {  	s2 =	sld [smem:$0x3FD0];
	(tm) =	ssettm $0x1  }
0x91: {  	s18 =	sld [smem:$0x3FFB];
	_ =	sdelay $0x3  }
0x92: {  	_ =	strace s18  }
0x93: {  	s3 =	sld [smem:$0x3FFC];
	_ =	sdelay $0x3  }
0x94: {  	_ =	strace s3  }
0x95: {  	s3 =	sld [smem:$0x3FFD];
	_ =	sdelay $0x3  }
0x96: {  	_ =	strace s3  }
0x97: {  	_ =	strace $0x8FFFFFFF  }
0x98: {  	s19 =	sld [smem:$0x3FDB];
	_ =	sdelay $0x1  }
0x99: {  	s4 =	simm.s32 $_scs_section_size  }
0x9a: {  	s5 =	simm.s32 $_size__tile_overlayer_lowered;
	s6 =	simm.s32 $_tile_overlayer_lowered  }
0x9b: {  	s22 =	simm.s32 $0x1BFF;
	s21 =	sshll.u32 s6, $0x1;
	s3 =	sadd.s32 s4, s19  }
0x9c: {  	s7 =	simm.s32 $0x0;
	s20 =	sshll.u32 s5, $0x1;
	s5 =	sadd.s32 s21, s3  }
0x9d: {  	[timem:s7], [sflag:s22] =	dma.local [hbm:s5], s20  }
0x9e: {  	_ =	swait.ge [sflag:s22], s20  }
0x9f: {  	s4 =	ssub.s32 $0x0, s20;
	[sflag:s22] =	ssyncset.done $0x0  }
0xa0: {  	[sflag:s22] =	ssyncadd.s32 s4;
	_ =	sdelay $0x1  }
0xa1: {  	s23 =	simm.s32 $0x1B8B  }
0xa2: {  	_ =	swait.ge [sflag:s23], $0x1  }
0xa3: {  	[sflag:s23] =	ssyncset.done $0x0  }
0xa4: {  	s25 =	simm.s32 $0x1B8E;
	s24 =	sld [smem:$0x3FFE];
	[sflag:s23] =	ssyncadd.s32 $0xFFFFFFFF  }
0xa5: {  	s26 =	simm.s32 $execute0_lowered;
	[smem:$0x3FD2] =	sst s25  }
0xa6: {  	s5 =	sshll.u32 s26, $0x1;
	_ =	strace $0x80000046;
	[dreg:$0x1] =	wrdreg $0xFFFFFFFF  }
0xa7: {  	s28 =	simm.s32 $_size_execute0_lowered;
	s3 =	sadd.s32 s3, s5;
	[dreg:$0x0] =	wrdreg $0x0  }
0xa8: {  	s5 =	sshll.u32 s28, $0x1;
	[dreg:$0x2] =	wrdreg s3  }
0xa9: {  	[dreg:$0x3] =	wrdreg s5  }
0xaa: {  	[dreg:$0x4] =	wrdreg $0xC0  }
0xab: {  	_ =	task [dreg:s7], $0x5FFFF  }
0xac: {  	[dreg:$0x1] =	wrdreg $0xFFFFFFFF  }
0xad: {  	[dreg:$0x0] =	wrdreg $0x60  }
0xae: {  	[dreg:$0x2] =	wrdreg s2  }
0xaf: {  	[dreg:$0x3] =	wrdreg s24  }
0xb0: {  	[dreg:$0x4] =	wrdreg $0x1B4800  }
0xb1: {  	[dreg:$0x5] =	wrdreg $0x1B7000  }
0xb2: {  	[dreg:$0x6] =	wrdreg $0x9  }
0xb3: {  	_ =	task.clear_ibuf [dreg:s7], $0x7FFFF;
	_ =	strace $0x90000046  }
0xb4: {  	s29 =	simm.s32 $0x9;
	_ =	strace $0x80000048  }
0xb5: {  	_ =	swait.ge [sflag:s29], $0x1  }
0xb6: {  	[sflag:s29] =	ssyncadd.s32 $0xFFFFFFFF  }
0xb7: {  	_ =	strace $0x90000048  }
0xb8: {  	_ =	sfence  }
0xb9: {  	s30 =	sld [smem:$0x0];
	_ =	sdelay $0x2  }
0xba: {  	s31 =	sshll.u32 s1, $0xD;
	s1 =	sshrl.u32 s1, $0x2  }
0xbb: {  	s3 =	sand.u32 $0x4000, s31;
	s1 =	sadd.s32 s1, s30  }
0xbc: {  	s0 =	sor.u32 s3, s0;
	s1 =	sshll.u32 s1, $0x11  }
0xbd: {  	s0 =	sor.u32 s1, s0  }
0xbe: {  	s0 =	sadd.s32 $0x8F2B, s0  }
0xbf: {  	[sflag:s0] =	ssyncadd.remote.s32 $0x1  }
0xc0: {  	_ =	sfence.sel $0xFFFF  }
0xc1: {  	[dreg:$0x0] =	wrdreg $0xFFFFFFFF;
	(pc) =	sbr.abs _section_cstart, $3  }
0xc2: {  	[dreg:$0x1] =	wrdreg $0xFFFFFFFF  }
0xc3: {  	_ =	task.clear_ibuf [dreg:s7], $0x2FFFF;
	_ =	strace $0x9FFFFFFF  }
0xc4: {  	(tm) =	ssettm $0x7FFFFFFF  }
0xc5: {  	_ =	shalt  }
tec
execute0_lowered:
.L_overlay_start_1:
0x0: {  	(tag) =	ssettag $0x1  }
0x1: {  	s0 =	rddreg [dreg:$0x0]  }
0x2: {  	s1 =	srdreg.scid;
	s5 =	rddreg [dreg:$0x1]  }
0x3: {  	s22 =	stileid.u32;
	s2 =	rddreg [dreg:$0x2]  }
0x4: {  	s3 =	rddreg [dreg:$0x3];
	s4 =	simm.s32 $0x0;
	s13 =	simm.s32 $0x9D00  }
0x5: {  	s14 =	simm.s32 $0x13A00;
	s15 =	simm.s32 $0x1;
	s16 =	simm.s32 $0x1B200  }
0x6: {  	s17 =	simm.s32 $0x2;
	s18 =	simm.s32 $0x80;
	s19 =	simm.s32 $0x9C80  }
0x7: {  	s20 =	simm.s32 $0x13980;
	s6 =	sand.u32 $0x1, s1;
	s1 =	rddreg [dreg:$0x4]  }
0x8: {  	s21 =	simm.s32 $0x18A00;
	s8 =	smul.u32 $0x4E20, s22;
	[smem:$0x7FF] =	sst s4  }
0x9: {  	s10 =	smul.u32 $0x280, s22;
	p0 =	sne.s32 s22, $0x0;
	s22 =	simm.s32 $0x0  }
0xa: {  	s7 =	smul.u32 $0x4E200, s6;
	s31 =	ssub.s32 $0x2, s6;
	s6 =	sshll.u32 s6, $0x4  }
0xb: {  	_ =	strace $0x80000047;
	s9 =	sshrl.u32 s31, $0x1;
	s11 =	sadd.s32 s6, s5  }
0xc: {  	s7 =	sadd.s32 s8, s7;
	s12 =	ssub.s32 s31, s9;
	s8 =	sadd.s32 s10, s2  }
0xd: {  	s9 =	sadd.s32 s10, s3;
	s10 =	sadd.s32 $0x3BC00, s11;
	s7 =	sshrl.u32 s7, $0x3  }
0xe: {  	s11 =	smax.u32 s12, $0x1;
	s12 =	simm.s32 $0x4E80;
	s7 =	sadd.s32 s7, s5  }
0xf: {  	v0 =	vimm.f32 $0.0e+00;
	s5 =	sadd.s32 $0x1000, s7;
	s6 =	sadd.s32 $0x14880, s7;
	s7 =	sadd.s32 $0x28200, s7  }
.LBB2_1:
0x10: {  	[tilespmem:s4], [sflag:$0x1] =	stream.linear.gather [hbm4b:s5+s4], $0x4E80, $0x38;
	[tilespmem:$0x1B980] =	vst v63  }
0x11: {  	_ = 	snop  }
0x12: {  	[tilespmem:s12], [sflag:$0x1] =	stream.linear.gather [hbm4b:s6+s4], $0x4E80, $0x38;
	[tilespmem:$0x1B980] =	vst v63  }
0x13: {  	_ = 	snop  }
0x14: {  	[tilespmem:s13], [sflag:$0x1] =	stream.linear.gather [hbm4b:s7+s4], $0x4E80, $0x38;
	[tilespmem:$0x1B980] =	vst v63  }
0x15: {  	_ = 	snop  }
0x16: {  	[tilespmem:s14], [sflag:$0x1] =	stream.linear.gather [hbm4b:s0+s4], $0x5000, $0x38;
	[tilespmem:$0x1B980] =	vst v63  }
0x17: {  	[tilespmem:$0x1B200] =	vst v0  }
0x18: {  	[tilespmem:$0x1B210] =	vst v0  }
0x19: {  	[tilespmem:$0x1B220] =	vst v0  }
0x1a: {  	[tilespmem:$0x1B230] =	vst v0  }
0x1b: {  	[tilespmem:$0x1B240] =	vst v0  }
0x1c: {  	[tilespmem:$0x1B250] =	vst v0  }
0x1d: {  	[tilespmem:$0x1B260] =	vst v0  }
0x1e: {  	[tilespmem:$0x1B270] =	vst v0  }
0x1f: {  	[tilespmem:$0x1B280] =	vst v0  }
0x20: {  	[tilespmem:$0x1B290] =	vst v0  }
0x21: {  	[tilespmem:$0x1B2A0] =	vst v0  }
0x22: {  	[tilespmem:$0x1B2B0] =	vst v0  }
0x23: {  	[tilespmem:$0x1B2C0] =	vst v0  }
0x24: {  	[tilespmem:$0x1B2D0] =	vst v0  }
0x25: {  	[tilespmem:$0x1B2E0] =	vst v0  }
0x26: {  	[tilespmem:$0x1B2F0] =	vst v0  }
0x27: {  	[tilespmem:$0x1B300] =	vst v0  }
0x28: {  	[tilespmem:$0x1B310] =	vst v0  }
0x29: {  	[tilespmem:$0x1B320] =	vst v0  }
0x2a: {  	[tilespmem:$0x1B330] =	vst v0  }
0x2b: {  	[tilespmem:$0x1B340] =	vst v0  }
0x2c: {  	[tilespmem:$0x1B350] =	vst v0  }
0x2d: {  	[tilespmem:$0x1B360] =	vst v0  }
0x2e: {  	[tilespmem:$0x1B370] =	vst v0  }
0x2f: {  	[tilespmem:$0x1B380] =	vst v0  }
0x30: {  	[tilespmem:$0x1B390] =	vst v0  }
0x31: {  	[tilespmem:$0x1B3A0] =	vst v0  }
0x32: {  	[tilespmem:$0x1B3B0] =	vst v0  }
0x33: {  	[tilespmem:$0x1B3C0] =	vst v0  }
0x34: {  	[tilespmem:$0x1B3D0] =	vst v0  }
0x35: {  	[tilespmem:$0x1B3E0] =	vst v0  }
0x36: {  	[tilespmem:$0x1B3F0] =	vst v0  }
0x37: {  	[tilespmem:$0x1B400] =	vst v0  }
0x38: {  	[tilespmem:$0x1B410] =	vst v0  }
0x39: {  	[tilespmem:$0x1B420] =	vst v0  }
0x3a: {  	[tilespmem:$0x1B430] =	vst v0  }
0x3b: {  	[tilespmem:$0x1B440] =	vst v0  }
0x3c: {  	[tilespmem:$0x1B450] =	vst v0  }
0x3d: {  	[tilespmem:$0x1B460] =	vst v0  }
0x3e: {  	[tilespmem:$0x1B470] =	vst v0  }
0x3f: {  	_ =	swait.ge [sflag:s15], $0x4E80  }
0x40: {  	[sflag:s15] =	ssyncset.done $0x0  }
0x41: {  	[sflag:s15] =	ssyncadd.s32 $0xFFFFB180  }
0x42: {  	_ =	swait.ge [sflag:s15], $0x4E80  }
0x43: {  	[sflag:s15] =	ssyncset.done $0x0  }
0x44: {  	[sflag:s15] =	ssyncadd.s32 $0xFFFFB180  }
0x45: {  	_ =	swait.ge [sflag:s15], $0x4E80  }
0x46: {  	[sflag:s15] =	ssyncset.done $0x0  }
0x47: {  	[sflag:s15] =	ssyncadd.s32 $0xFFFFB180  }
0x48: {  	_ =	swait.ge [sflag:s15], $0x5000  }
0x49: {  	[sflag:s15] =	ssyncset.done $0x0  }
0x4a: {  	[sflag:s15] =	ssyncadd.s32 $0xFFFFB000  }
0x4b: {  	[spmem:s8] =	stream.linear.scatter [tilespmem:s16], [sflag:$0x2], $0x280, $0x38;
	[tilespmem:$0x1B980] =	vst v63  }
0x4c: {  	_ =	swait.ge [sflag:s17], $0x280  }
0x4d: {  	[sflag:s17] =	ssyncset.done $0x0  }
0x4e: {  	[sflag:s17] =	ssyncadd.s32 $0xFFFFFD80  }
0x4f: {  	[spmem:s9] =	stream.linear.scatter [tilespmem:s16], [sflag:$0x2], $0x280, $0x38;
	[tilespmem:$0x1B980] =	vst v63  }
0x50: {  	_ =	swait.ge [sflag:s17], $0x280  }
0x51: {  	[sflag:s17] =	ssyncset.done $0x0  }
0x52: {  	[sflag:s17] =	ssyncadd.s32 $0xFFFFFD80  }
0x53: {  	s23 =	simm.s32 $0x0;
	[bflag:$0x0] =	sbarrier.arrive $0xFFFF  }
0x54: {  	s24 =	simm.s32 $0x200;
	v1 =	vld [tilespmem:s23+$0x0]  }
.LBB2_2:
0x55: {  	p1 =	sne.s32 s24, $0x13600;
	_ =	sdelay $0x5  }
0x56: {  	v2 =	vld [tilespmem:s23+$0x10]  }
0x57: {  	v1 =	vld.idx.msk [tilespmem:v1+s14+$0x0], $0xffff;
	_ =	sdelay $0x5  }
0x58: {  	[tilespmem:s23+$0xEB80] =	vst v1;
	v1 =	vld [tilespmem:s23+$0x20]  }
0x59: {  	v2 =	vld.idx.msk [tilespmem:v2+s14+$0x0], $0xffff;
	_ =	sdelay $0x5  }
0x5a: {  	[tilespmem:s23+$0xEB90] =	vst v2;
	v2 =	vld [tilespmem:s23+$0x30]  }
0x5b: {  	v1 =	vld.idx.msk [tilespmem:v1+s14+$0x0], $0xffff;
	_ =	sdelay $0x5  }
0x5c: {  	[tilespmem:s23+$0xEBA0] =	vst v1;
	v1 =	vld [tilespmem:s23+$0x40]  }
0x5d: {  	v2 =	vld.idx.msk [tilespmem:v2+s14+$0x0], $0xffff;
	_ =	sdelay $0x5  }
0x5e: {  	[tilespmem:s23+$0xEBB0] =	vst v2;
	v2 =	vld [tilespmem:s23+$0x50]  }
0x5f: {  	v1 =	vld.idx.msk [tilespmem:v1+s14+$0x0], $0xffff;
	_ =	sdelay $0x5  }
0x60: {  	[tilespmem:s23+$0xEBC0] =	vst v1;
	v1 =	vld [tilespmem:s23+$0x60]  }
0x61: {  	v2 =	vld.idx.msk [tilespmem:v2+s14+$0x0], $0xffff;
	_ =	sdelay $0x5  }
0x62: {  	[tilespmem:s23+$0xEBD0] =	vst v2;
	v2 =	vld [tilespmem:s23+$0x70]  }
0x63: {  	v1 =	vld.idx.msk [tilespmem:v1+s14+$0x0], $0xffff;
	_ =	sdelay $0x5  }
0x64: {  	[tilespmem:s23+$0xEBE0] =	vst v1  }
0x65: {  	v1 =	vld.idx.msk [tilespmem:v2+s14+$0x0], $0xffff;
	_ =	sdelay $0x2  }
.Ltmp0:
0x66: {  	(pc) =	sbr.rel @p1 .LBB2_2-.Ltmp0, $4  }
0x67: {  	_ = 	snop  }
0x68: {  	s25 =	sshra.s32 s24, $0x2;
	s26 =	sadd.s32 $0xEB80, s23;
	s28 =	sadd.s32 $0x4E80, s23  }
0x69: {  	[tilespmem:s23+$0xEBF0] =	vst v1;
	[spmem:s2] =	stream.indirect.scatter.add.f32 [tilespmem:s26], [sflag:$0x1], $0x1, s28, s18, $0xb8  }
0x6a: {  	s24 =	sadd.s32 $0x200, s24;
	s23 =	smov.u32 s25;
	v1 =	vld [tilespmem:s25+$0x0]  }
0x6b: {  	_ =	sdelay $0x5  }
0x6c: {  	v2 =	vld [tilespmem:s23+$0x10];
	_ =	sdelay $0x1  }
0x6d: {  	v1 =	vld.idx.msk [tilespmem:v1+s14+$0x0], $0xffff;
	_ =	sdelay $0x4  }
0x6e: {  	[tilespmem:s23+$0xEB80] =	vst v1;
	v1 =	vld [tilespmem:s23+$0x20]  }
0x6f: {  	v2 =	vld.idx.msk [tilespmem:v2+s14+$0x0], $0xffff;
	_ =	sdelay $0x4  }
0x70: {  	[tilespmem:s23+$0xEB90] =	vst v2;
	v2 =	vld [tilespmem:s23+$0x30];
	_ =	sdelay $0x1  }
0x71: {  	v1 =	vld.idx.msk [tilespmem:v1+s14+$0x0], $0xffff;
	_ =	sdelay $0x4  }
0x72: {  	[tilespmem:s23+$0xEBA0] =	vst v1;
	v1 =	vld [tilespmem:s23+$0x40]  }
0x73: {  	v2 =	vld.idx.msk [tilespmem:v2+s14+$0x0], $0xffff;
	_ =	sdelay $0x4  }
0x74: {  	[tilespmem:s23+$0xEBB0] =	vst v2;
	v2 =	vld [tilespmem:s23+$0x50];
	_ =	sdelay $0x1  }
0x75: {  	v1 =	vld.idx.msk [tilespmem:v1+s14+$0x0], $0xffff;
	_ =	sdelay $0x4  }
0x76: {  	[tilespmem:s23+$0xEBC0] =	vst v1;
	v1 =	vld [tilespmem:s23+$0x60]  }
0x77: {  	v2 =	vld.idx.msk [tilespmem:v2+s14+$0x0], $0xffff;
	_ =	sdelay $0x4  }
0x78: {  	[tilespmem:s23+$0xEBD0] =	vst v2;
	v2 =	vld [tilespmem:s23+$0x70];
	_ =	sdelay $0x1  }
0x79: {  	v1 =	vld.idx.msk [tilespmem:v1+s14+$0x0], $0xffff;
	_ =	sdelay $0x4  }
0x7a: {  	[tilespmem:s23+$0xEBE0] =	vst v1  }
0x7b: {  	v1 =	vld.idx.msk [tilespmem:v2+s14+$0x0], $0xffff;
	_ =	sdelay $0x4  }
0x7c: {  	s24 =	sadd.s32 $0xEB80, s23;
	s25 =	sadd.s32 $0x4E80, s23;
	[tilespmem:s23+$0xEBF0] =	vst v1  }
0x7d: {  	[spmem:s2] =	stream.indirect.scatter.add.f32 [tilespmem:s24], [sflag:$0x1], $0x1, s25, s18, $0xb8;
	[tilespmem:$0x1B980] =	vst v63  }
0x7e: {  	v1 =	vld [tilespmem:$0x4E00];
	_ =	sdelay $0x5  }
0x7f: {  	v2 =	vld [tilespmem:$0x4E10];
	_ =	sdelay $0x1  }
0x80: {  	v1 =	vld.idx.msk [tilespmem:v1+s14+$0x0], $0xffff;
	_ =	sdelay $0x4  }
0x81: {  	[tilespmem:$0x13980] =	vst v1  }
0x82: {  	v1 =	vld.idx.msk [tilespmem:v2+s14+$0x0], $0xffff;
	[tilespmem:$0x139A0] =	vst v0  }
0x83: {  	[tilespmem:$0x139B0] =	vst v0  }
0x84: {  	[tilespmem:$0x139C0] =	vst v0  }
0x85: {  	[tilespmem:$0x139D0] =	vst v0  }
0x86: {  	[tilespmem:$0x139E0] =	vst v0  }
0x87: {  	[tilespmem:$0x139F0] =	vst v0  }
0x88: {  	[tilespmem:$0x13990] =	vst v1  }
0x89: {  	[spmem:s2] =	stream.indirect.scatter.add.f32 [tilespmem:s20], [sflag:$0x1], $0x1, s19, s18, $0xb8;
	[tilespmem:$0x1B980] =	vst v63  }
0x8a: {  	_ =	swait.ge [sflag:s15], $0x80  }
0x8b: {  	s23 =	simm.s32 $0x9C;
	[sflag:s15] =	ssyncset.done $0x0  }
.LBB2_4:
0x8c: {  	p1 =	sne.s32 s23, $0x1;
	s23 =	sadd.s32 $0xFFFFFFFF, s23;
	[sflag:s15] =	ssyncadd.s32 $0xFFFFFF80  }
.Ltmp1:
0x8d: {  	(pc) =	sbr.rel @p1 .LBB2_4-.Ltmp1, $3  }
0x8e: {  	_ =	sdelay $0x1  }
0x8f: {  	_ =	swait.ge [sflag:s15], $0x80  }
0x90: {  	[sflag:s15] =	ssyncset.done $0x0  }
0x91: {  	[sflag:s15] =	ssyncadd.s32 $0xFFFFFF80  }
0x92: {  	[bflag:$0x0] =	sbarrier.arrive $0xFFFF  }
0x93: {  	[tilespmem:s21], [sflag:$0x2] =	stream.linear.gather [spmem:s2], $0x2800, $0x38;
	[tilespmem:$0x1B980] =	vst v63  }
0x94: {  	_ =	swait.ge [sflag:s17], $0x2800  }
0x95: {  	s23 =	simm.s32 $0x0;
	[sflag:s17] =	ssyncset.done $0x0  }
0x96: {  	s24 =	simm.s32 $0x0;
	s25 =	simm.s32 $0x40;
	[sflag:s17] =	ssyncadd.s32 $0xFFFFD800  }
.LBB2_6:
0x97: {  	p1 =	sne.s32 s25, $0x9FC0;
	v1 =	vld [tilespmem:s24+$0x18A00];
	_ =	sdelay $0x4  }
0x98: {  	(erf) = vrcp.f32 v1;
	_ =	sdelay $0x5  }
.Ltmp2:
0x99: {  	(pc) =	sbr.rel @p1 .LBB2_6-.Ltmp2, $3  }
0x9a: {  	_ =	sdelay $0x1  }
0x9b: {  	v1 =	vpop (erf)  }
0x9c: {  	[tilespmem:s24+$0x18A00] =	vst v1;
	s24 =	sshra.s32 s25, $0x2;
	s25 =	sadd.s32 $0x40, s25  }
0x9d: {  	v1 =	vld [tilespmem:s24+$0x18A00];
	_ =	sdelay $0x4  }
0x9e: {  	(erf) = vrcp.f32 v1;
	_ =	sdelay $0x8  }
0x9f: {  	v1 =	vpop (erf)  }
0xa0: {  	[tilespmem:s24+$0x18A00] =	vst v1  }
.LBB2_8:
0xa1: {  	s24 =	sshra.s32 s23, $0x2  }
0xa2: {  	v1 =	vld [tilespmem:s24+$0x4E80];
	_ =	sdelay $0x6  }
0xa3: {  	v2 =	vld [tilespmem:s24+$0xEB80]  }
0xa4: {  	v1 =	vld.idx.msk [tilespmem:v1+s21+$0x0], $0xffff;
	_ =	sdelay $0x1  }
0xa5: {  	v3 =	vld [tilespmem:s24+$0x9D00];
	_ =	sdelay $0x2  }
0xa6: {  	v1 =	vmul.f32 v2, v1;
	_ =	sdelay $0x1  }
0xa7: {  	v1 =	vadd.f32 v1, v3;
	_ =	sdelay $0x1  }
0xa8: {  	v1 =	vsub.f32 $0.0e+00, v1;
	_ =	sdelay $0x1  }
0xa9: {  	v1 =	vmul.f32 $1.442695020e+00, v1;
	_ =	sdelay $0x1  }
0xaa: {  	(erf) = vpow2.f32 v1;
	_ =	sdelay $0x8  }
0xab: {  	v1 =	vpop (erf)  }
0xac: {  	v1 =	vadd.f32 $1.000000000e+00, v1;
	_ =	sdelay $0x1  }
0xad: {  	(erf) = vrcp.f32 v1;
	_ =	sdelay $0x2  }
0xae: {  	v1 =	vld [tilespmem:s24+$0x4E90];
	_ =	sdelay $0x5  }
0xaf: {  	v2 =	vpop (erf)  }
0xb0: {  	[tilespmem:s24+$0xEB80] =	vst v2;
	v2 =	vld [tilespmem:s24+$0xEB90]  }
0xb1: {  	v1 =	vld.idx.msk [tilespmem:v1+s21+$0x0], $0xffff;
	_ =	sdelay $0x1  }
0xb2: {  	v3 =	vld [tilespmem:s24+$0x9D10];
	_ =	sdelay $0x2  }
0xb3: {  	v1 =	vmul.f32 v2, v1;
	_ =	sdelay $0x1  }
0xb4: {  	v1 =	vadd.f32 v1, v3;
	_ =	sdelay $0x1  }
0xb5: {  	v1 =	vsub.f32 $0.0e+00, v1;
	_ =	sdelay $0x1  }
0xb6: {  	v1 =	vmul.f32 $1.442695020e+00, v1;
	_ =	sdelay $0x1  }
0xb7: {  	(erf) = vpow2.f32 v1;
	_ =	sdelay $0x8  }
0xb8: {  	v1 =	vpop (erf)  }
0xb9: {  	v1 =	vadd.f32 $1.000000000e+00, v1;
	_ =	sdelay $0x1  }
0xba: {  	(erf) = vrcp.f32 v1;
	_ =	sdelay $0x2  }
0xbb: {  	v1 =	vld [tilespmem:s24+$0x4EA0];
	_ =	sdelay $0x5  }
0xbc: {  	v2 =	vpop (erf)  }
0xbd: {  	[tilespmem:s24+$0xEB90] =	vst v2;
	v2 =	vld [tilespmem:s24+$0xEBA0]  }
0xbe: {  	v1 =	vld.idx.msk [tilespmem:v1+s21+$0x0], $0xffff;
	_ =	sdelay $0x1  }
0xbf: {  	v3 =	vld [tilespmem:s24+$0x9D20];
	_ =	sdelay $0x2  }
0xc0: {  	v1 =	vmul.f32 v2, v1;
	_ =	sdelay $0x1  }
0xc1: {  	v1 =	vadd.f32 v1, v3;
	_ =	sdelay $0x1  }
0xc2: {  	v1 =	vsub.f32 $0.0e+00, v1;
	_ =	sdelay $0x1  }
0xc3: {  	v1 =	vmul.f32 $1.442695020e+00, v1;
	_ =	sdelay $0x1  }
0xc4: {  	(erf) = vpow2.f32 v1;
	_ =	sdelay $0x8  }
0xc5: {  	v1 =	vpop (erf)  }
0xc6: {  	v1 =	vadd.f32 $1.000000000e+00, v1;
	_ =	sdelay $0x1  }
0xc7: {  	(erf) = vrcp.f32 v1;
	_ =	sdelay $0x2  }
0xc8: {  	v1 =	vld [tilespmem:s24+$0x4EB0];
	_ =	sdelay $0x5  }
0xc9: {  	v2 =	vpop (erf)  }
0xca: {  	[tilespmem:s24+$0xEBA0] =	vst v2;
	v2 =	vld [tilespmem:s24+$0xEBB0]  }
0xcb: {  	v1 =	vld.idx.msk [tilespmem:v1+s21+$0x0], $0xffff;
	_ =	sdelay $0x1  }
0xcc: {  	v3 =	vld [tilespmem:s24+$0x9D30];
	_ =	sdelay $0x2  }
0xcd: {  	v1 =	vmul.f32 v2, v1;
	_ =	sdelay $0x1  }
0xce: {  	v1 =	vadd.f32 v1, v3;
	_ =	sdelay $0x1  }
0xcf: {  	v1 =	vsub.f32 $0.0e+00, v1;
	_ =	sdelay $0x1  }
0xd0: {  	v1 =	vmul.f32 $1.442695020e+00, v1;
	_ =	sdelay $0x1  }
0xd1: {  	(erf) = vpow2.f32 v1;
	_ =	sdelay $0x8  }
0xd2: {  	v1 =	vpop (erf)  }
0xd3: {  	v1 =	vadd.f32 $1.000000000e+00, v1;
	_ =	sdelay $0x1  }
0xd4: {  	(erf) = vrcp.f32 v1;
	_ =	sdelay $0x2  }
0xd5: {  	v1 =	vld [tilespmem:s24+$0x4EC0];
	_ =	sdelay $0x5  }
0xd6: {  	v2 =	vpop (erf)  }
0xd7: {  	[tilespmem:s24+$0xEBB0] =	vst v2;
	v2 =	vld [tilespmem:s24+$0xEBC0]  }
0xd8: {  	v1 =	vld.idx.msk [tilespmem:v1+s21+$0x0], $0xffff;
	_ =	sdelay $0x1  }
0xd9: {  	v3 =	vld [tilespmem:s24+$0x9D40];
	_ =	sdelay $0x2  }
0xda: {  	v1 =	vmul.f32 v2, v1;
	_ =	sdelay $0x1  }
0xdb: {  	v1 =	vadd.f32 v1, v3;
	_ =	sdelay $0x1  }
0xdc: {  	v1 =	vsub.f32 $0.0e+00, v1;
	_ =	sdelay $0x1  }
0xdd: {  	v1 =	vmul.f32 $1.442695020e+00, v1;
	_ =	sdelay $0x1  }
0xde: {  	(erf) = vpow2.f32 v1;
	_ =	sdelay $0x8  }
0xdf: {  	v1 =	vpop (erf)  }
0xe0: {  	v1 =	vadd.f32 $1.000000000e+00, v1;
	_ =	sdelay $0x1  }
0xe1: {  	(erf) = vrcp.f32 v1;
	_ =	sdelay $0x2  }
0xe2: {  	v1 =	vld [tilespmem:s24+$0x4ED0];
	_ =	sdelay $0x5  }
0xe3: {  	v2 =	vpop (erf)  }
0xe4: {  	[tilespmem:s24+$0xEBC0] =	vst v2;
	v2 =	vld [tilespmem:s24+$0xEBD0]  }
0xe5: {  	v1 =	vld.idx.msk [tilespmem:v1+s21+$0x0], $0xffff;
	_ =	sdelay $0x1  }
0xe6: {  	v3 =	vld [tilespmem:s24+$0x9D50];
	_ =	sdelay $0x2  }
0xe7: {  	v1 =	vmul.f32 v2, v1;
	_ =	sdelay $0x1  }
0xe8: {  	v1 =	vadd.f32 v1, v3;
	_ =	sdelay $0x1  }
0xe9: {  	v1 =	vsub.f32 $0.0e+00, v1;
	_ =	sdelay $0x1  }
0xea: {  	v1 =	vmul.f32 $1.442695020e+00, v1;
	_ =	sdelay $0x1  }
0xeb: {  	(erf) = vpow2.f32 v1;
	_ =	sdelay $0x8  }
0xec: {  	v1 =	vpop (erf)  }
0xed: {  	v1 =	vadd.f32 $1.000000000e+00, v1;
	_ =	sdelay $0x1  }
0xee: {  	(erf) = vrcp.f32 v1;
	_ =	sdelay $0x2  }
0xef: {  	v1 =	vld [tilespmem:s24+$0x4EE0];
	_ =	sdelay $0x5  }
0xf0: {  	v2 =	vpop (erf)  }
0xf1: {  	[tilespmem:s24+$0xEBD0] =	vst v2;
	v2 =	vld [tilespmem:s24+$0xEBE0]  }
0xf2: {  	v1 =	vld.idx.msk [tilespmem:v1+s21+$0x0], $0xffff;
	_ =	sdelay $0x1  }
0xf3: {  	v3 =	vld [tilespmem:s24+$0x9D60];
	_ =	sdelay $0x2  }
0xf4: {  	v1 =	vmul.f32 v2, v1;
	_ =	sdelay $0x1  }
0xf5: {  	v1 =	vadd.f32 v1, v3;
	_ =	sdelay $0x1  }
0xf6: {  	v1 =	vsub.f32 $0.0e+00, v1;
	_ =	sdelay $0x1  }
0xf7: {  	v1 =	vmul.f32 $1.442695020e+00, v1;
	_ =	sdelay $0x1  }
0xf8: {  	(erf) = vpow2.f32 v1;
	_ =	sdelay $0x8  }
0xf9: {  	v1 =	vpop (erf)  }
0xfa: {  	v1 =	vadd.f32 $1.000000000e+00, v1;
	_ =	sdelay $0x1  }
0xfb: {  	(erf) = vrcp.f32 v1;
	_ =	sdelay $0x2  }
0xfc: {  	v1 =	vld [tilespmem:s24+$0x4EF0];
	_ =	sdelay $0x5  }
0xfd: {  	v2 =	vpop (erf)  }
0xfe: {  	[tilespmem:s24+$0xEBE0] =	vst v2;
	v2 =	vld [tilespmem:s24+$0xEBF0]  }
0xff: {  	v1 =	vld.idx.msk [tilespmem:v1+s21+$0x0], $0xffff;
	_ =	sdelay $0x1  }
0x100: {  	v3 =	vld [tilespmem:s24+$0x9D70];
	_ =	sdelay $0x2  }
0x101: {  	v1 =	vmul.f32 v2, v1;
	_ =	sdelay $0x1  }
0x102: {  	v1 =	vadd.f32 v1, v3;
	_ =	sdelay $0x1  }
0x103: {  	v1 =	vsub.f32 $0.0e+00, v1;
	_ =	sdelay $0x1  }
0x104: {  	v1 =	vmul.f32 $1.442695020e+00, v1;
	_ =	sdelay $0x1  }
0x105: {  	(erf) = vpow2.f32 v1;
	_ =	sdelay $0x8  }
0x106: {  	v1 =	vpop (erf)  }
0x107: {  	v1 =	vadd.f32 $1.000000000e+00, v1;
	_ =	sdelay $0x1  }
0x108: {  	(erf) = vrcp.f32 v1;
	_ =	sdelay $0x5  }
0x109: {  	p1 =	sne.s32 s23, $0x13600  }
.Ltmp3:
0x10a: {  	_ = 	snop;
	(pc) =	sbr.rel @p1 .LBB2_8-.Ltmp3, $4  }
0x10b: {  	_ = 	snop  }
0x10c: {  	v1 =	vpop (erf)  }
0x10d: {  	s23 =	sadd.s32 $0x200, s23;
	s25 =	sadd.s32 $0x4E80, s24;
	s26 =	sadd.s32 $0xEB80, s24;
	[tilespmem:s24+$0xEBF0] =	vst v1  }
0x10e: {  	[spmem:s3] =	stream.indirect.scatter.add.f32 [tilespmem:s26], [sflag:$0x1], $0x1, s25, s18, $0xb8;
	[tilespmem:$0x1B980] =	vst v63  }
0x10f: {  	v1 =	vld [tilespmem:$0x9C80];
	_ =	sdelay $0x6  }
0x110: {  	v2 =	vld [tilespmem:$0x13980]  }
0x111: {  	v1 =	vld.idx.msk [tilespmem:v1+s21+$0x0], $0xffff;
	_ =	sdelay $0x1  }
0x112: {  	v3 =	vld [tilespmem:$0xEB00];
	_ =	sdelay $0x2  }
0x113: {  	v1 =	vmul.f32 v2, v1;
	_ =	sdelay $0x1  }
0x114: {  	v1 =	vadd.f32 v1, v3;
	_ =	sdelay $0x1  }
0x115: {  	v1 =	vsub.f32 $0.0e+00, v1;
	_ =	sdelay $0x1  }
0x116: {  	v1 =	vmul.f32 $1.442695020e+00, v1;
	_ =	sdelay $0x1  }
0x117: {  	(erf) = vpow2.f32 v1;
	_ =	sdelay $0x8  }
0x118: {  	v1 =	vpop (erf)  }
0x119: {  	v1 =	vadd.f32 $1.000000000e+00, v1;
	_ =	sdelay $0x1  }
0x11a: {  	(erf) = vrcp.f32 v1;
	_ =	sdelay $0x2  }
0x11b: {  	v1 =	vld [tilespmem:$0x9C90];
	_ =	sdelay $0x5  }
0x11c: {  	v2 =	vpop (erf)  }
0x11d: {  	[tilespmem:$0x13980] =	vst v2;
	v2 =	vld [tilespmem:$0x13990]  }
0x11e: {  	v1 =	vld.idx.msk [tilespmem:v1+s21+$0x0], $0xffff;
	_ =	sdelay $0x1  }
0x11f: {  	v3 =	vld [tilespmem:$0xEB10];
	_ =	sdelay $0x2  }
0x120: {  	v1 =	vmul.f32 v2, v1;
	_ =	sdelay $0x1  }
0x121: {  	v1 =	vadd.f32 v1, v3;
	_ =	sdelay $0x1  }
0x122: {  	v1 =	vsub.f32 $0.0e+00, v1;
	_ =	sdelay $0x1  }
0x123: {  	v1 =	vmul.f32 $1.442695020e+00, v1;
	_ =	sdelay $0x1  }
0x124: {  	(erf) = vpow2.f32 v1;
	_ =	sdelay $0x8  }
0x125: {  	v1 =	vpop (erf)  }
0x126: {  	v1 =	vadd.f32 $1.000000000e+00, v1;
	_ =	sdelay $0x1  }
0x127: {  	(erf) = vrcp.f32 v1;
	_ =	sdelay $0x8  }
0x128: {  	v1 =	vpop (erf)  }
0x129: {  	[tilespmem:$0x13990] =	vst v1  }
0x12a: {  	[spmem:s3] =	stream.indirect.scatter.add.f32 [tilespmem:s20], [sflag:$0x1], $0x1, s19, s18, $0xb8;
	[tilespmem:$0x1B980] =	vst v63  }
0x12b: {  	_ =	swait.ge [sflag:s15], $0x80  }
0x12c: {  	s23 =	simm.s32 $0x9C;
	[sflag:s15] =	ssyncset.done $0x0  }
.LBB2_10:
0x12d: {  	p1 =	sne.s32 s23, $0x1;
	s23 =	sadd.s32 $0xFFFFFFFF, s23;
	[sflag:s15] =	ssyncadd.s32 $0xFFFFFF80  }
.Ltmp4:
0x12e: {  	(pc) =	sbr.rel @p1 .LBB2_10-.Ltmp4, $3  }
0x12f: {  	_ =	sdelay $0x1  }
0x130: {  	_ =	swait.ge [sflag:s15], $0x80  }
0x131: {  	[sflag:s15] =	ssyncset.done $0x0  }
0x132: {  	[sflag:s15] =	ssyncadd.s32 $0xFFFFFF80;
	s23 =	sshrl.u32 @!p0 s3, $0x3;
	s24 =	simm.s32 @!p0 $0x1  }
0x133: {  	s25 =	simm.s32 @!p0 $0x20;
	s26 =	simm.s32 @!p0 $0x10;
	s22 =	sadd.s32 $0x1, s22  }
0x134: {  	s28 =	simm.s32 @!p0 $0x1C02;
	[bflag:$0x0] =	sbarrier.arrive $0xFFFF;
	p1 =	sne.s32 s22, s11  }
0x135: {  	[hbm:s10@s25], [sflag:s28] =	dma.strided @!p0 [spmem:s23@s26], $0x500, s24, $0x10   }
.Ltmp5:
0x136: {  	_ = 	snop;
	(pc) =	sbr.rel @p1 .LBB2_1-.Ltmp5, $4  }
0x137: {  	s23 =	simm.s32 @!p0 $0x2  }
0x138: {  	_ =	swait.ge @!p0 [sflag:s23], $0x500  }
0x139: {  	[sflag:s23] =	ssyncset.done @!p0 $0x0  }
0x13a: {  	[sflag:s23] =	ssyncadd.s32 @!p0 $0xFFFFFB00  }
0x13b: {  	_ =	sfence.sel $0x180000  }
0x13c: {  	[bflag:$0x0] =	sbarrier.arrive $0xFFFF  }
0x13d: {  	_ =	strace $0x90000047  }
0x13e: {  	s0 =	sadd.s32 @!p0 $0x100000, s1;
	[bflag:$0x2] =	sbarrier.arrive $0xFFFF  }
0x13f: {  	[sflag:s0] =	ssyncadd.tile.s32 @!p0 $0x1;
	_ =	shalt  }
.Lfunc_end2:
_tile_overlayer_lowered:
.L_overlay_start_2:
0x140: {  	(tag) =	ssettag $0x2  }
0x141: {  	s0 =	rddreg [dreg:$0x0];
	s2 =	stileid.u32  }
0x142: {  	s1 =	rddreg [dreg:$0x1];
	p0 =	sne.s32 s2, $0x0  }
0x143: {  	s3 =	rddreg [dreg:$0x2];
	[bflag:$0x3] =	sbarrier.arrive $0xFFFF;
	s2 =	simm.s32 @!p0 $0x1C02  }
0x144: {  	[timem:s3], [sflag:s2] =	dma.local @!p0 [hbm:s0], s1  }
0x145: {  	s0 =	simm.s32 @!p0 $0x2  }
0x146: {  	_ =	swait.ge @!p0 [sflag:s0], s1  }
0x147: {  	s1 =	ssub.s32 @!p0 $0x0, s1;
	[sflag:s0] =	ssyncset.done @!p0 $0x0  }
0x148: {  	[sflag:s0] =	ssyncadd.s32 @!p0 s1  }
0x149: {  	[bflag:$0x3] =	sbarrier.arrive $0xFFFF  }
0x14a: {  	_ =	shalt  }

</sc_bundles>
